<compile_context>
chip_gen: v7x
topology: tpu7x:2x2x1
jax: 0.10.2.dev20260603
libtpu: 0.0.44.dev20260713+nightly
codegen_flags: <defaults>
</compile_context>

<pallas_src>
import functools

import jax
import jax.numpy as jnp
from jax import lax
from jax.experimental import pallas as pl
from jax.experimental.pallas import tpu as pltpu
from jax.experimental.pallas import tpu_sc as plsc

N_ROWS = 16384
N_COLS = 16384
NNZ = 268435
D = 64

NC = 2
NS = 16
NW = NC * NS

PER_W = 8400
NNZ_PAD = PER_W * NW
CHUNK = 400
NCHUNK = PER_W // CHUNK
TAIL_W = NW - 1
TAIL_C = (NNZ - TAIL_W * PER_W) // CHUNK
TAIL_N = NNZ - (TAIL_W * PER_W + TAIL_C * CHUNK)

ST = 16640
ROWS_PT = ST // NS
HALF = ROWS_PT // 2
REM = ROWS_PT - 2 * CHUNK
CW = 16

_mesh = plsc.VectorSubcoreMesh(core_axis_name="c", subcore_axis_name="s")
_f32 = jnp.float32


CH = 264
SLOT = 272
LOAD = 267
NCH_TOT = 1024
CPW = NCH_TOT // NW
NPAIR = CPW // 2
A_BASE = 268168
SPEC_K = A_BASE // CH + 1
SPEC_J0 = SPEC_K * CH - A_BASE
ZOFF = (0, SLOT, 2 * SLOT, ROWS_PT - SLOT)


@functools.partial(
    pl.kernel,
    out_type=(
        jax.ShapeDtypeStruct((NC, ST, D), _f32),
        jax.ShapeDtypeStruct((NC, ST, CW), _f32),
    ),
    mesh=_mesh,
    compiler_params=pltpu.CompilerParams(use_tc_tiling_on_sc=False),
    scratch_types=[
        pltpu.VMEM_SHARED((ST, D), _f32),
        pltpu.VMEM_SHARED((ST, CW), _f32),
        pltpu.VMEM((SLOT,), jnp.int32),
        pltpu.VMEM((SLOT,), jnp.int32),
        pltpu.VMEM((SLOT, D), _f32),
        pltpu.VMEM((SLOT, D), _f32),
        pltpu.VMEM((SLOT, CW), _f32),
        pltpu.SemaphoreType.DMA,
        pltpu.SemaphoreType.DMA,
        pltpu.SemaphoreType.DMA,
        pltpu.SemaphoreType.DMA,
    ],
)
def _accumulate(sched_hbm, val_hbm, zrow_hbm, zcnt_hbm, ones_hbm,
                psum_hbm, pcnt_hbm,
                acc_sh, cnt_sh, idx_a, idx_b, val_a, val_b, ones_v,
                sia, sva, sib, svb):
    core = lax.axis_index("c")
    sub = lax.axis_index("s")
    wid = sub * NC + core

    pltpu.sync_copy(zrow_hbm, val_a)
    pltpu.sync_copy(zcnt_hbm, ones_v)
    row0 = sub * ROWS_PT
    for z in ZOFF:
        pltpu.sync_copy(val_a, acc_sh.at[pl.ds(row0 + z, SLOT)])
        pltpu.sync_copy(ones_v, cnt_sh.at[pl.ds(row0 + z, SLOT)])
    pltpu.sync_copy(ones_hbm, ones_v)
    plsc.subcore_barrier()

    c0 = wid * CPW

    def start(c, idx_v, val_v, si, sv):
        base = jnp.minimum(c * CH, A_BASE)
        pltpu.async_copy(sched_hbm.at[pl.ds(c * SLOT, SLOT)], idx_v, si)
        pltpu.async_copy(val_hbm.at[pl.ds(base, LOAD)],
                         val_v.at[pl.ds(0, LOAD)], sv)

    def finish(c, idx_v, val_v, si, sv):
        base = jnp.minimum(c * CH, A_BASE)
        pltpu.make_async_copy(sched_hbm.at[pl.ds(c * SLOT, SLOT)],
                              idx_v, si).wait()
        pltpu.make_async_copy(val_hbm.at[pl.ds(base, LOAD)],
                              val_v.at[pl.ds(0, LOAD)], sv).wait()
        pltpu.sync_copy(val_v, acc_sh.at[idx_v], add=True)
        pltpu.sync_copy(ones_v, cnt_sh.at[idx_v], add=True)

    start(c0, idx_a, val_a, sia, sva)
    start(c0 + 1, idx_b, val_b, sib, svb)

    def body(t, _):
        ca = c0 + 2 * t
        finish(ca, idx_a, val_a, sia, sva)

        @pl.when(t < NPAIR - 1)
        def _():
            start(ca + 2, idx_a, val_a, sia, sva)

        finish(ca + 1, idx_b, val_b, sib, svb)

        @pl.when(t < NPAIR - 1)
        def _():
            start(ca + 3, idx_b, val_b, sib, svb)
        return ()

    lax.fori_loop(0, NPAIR, body, ())
    plsc.subcore_barrier()

    pltpu.sync_copy(acc_sh.at[pl.ds(row0, ROWS_PT)],
                    psum_hbm.at[core, pl.ds(row0, ROWS_PT)])
    pltpu.sync_copy(cnt_sh.at[pl.ds(row0, ROWS_PT)],
                    pcnt_hbm.at[core, pl.ds(row0, ROWS_PT)])


@functools.partial(
    pl.kernel,
    out_type=jax.ShapeDtypeStruct((ST, D), _f32),
    mesh=_mesh,
    compiler_params=pltpu.CompilerParams(use_tc_tiling_on_sc=False),
    scratch_types=[
        pltpu.VMEM((HALF, D), _f32),
        pltpu.VMEM((HALF, D), _f32),
        pltpu.VMEM((HALF, CW), _f32),
        pltpu.VMEM((HALF, CW), _f32),
    ],
)
def _combine(psum_hbm, pcnt_hbm, pooled_hbm, a_v, b_v, ca_v, cb_v):
    core = lax.axis_index("c")
    sub = lax.axis_index("s")
    wid = sub * NC + core
    row0 = wid * HALF
    pltpu.sync_copy(psum_hbm.at[0, pl.ds(row0, HALF)], a_v)
    pltpu.sync_copy(psum_hbm.at[1, pl.ds(row0, HALF)], b_v)
    pltpu.sync_copy(pcnt_hbm.at[0, pl.ds(row0, HALF)], ca_v)
    pltpu.sync_copy(pcnt_hbm.at[1, pl.ds(row0, HALF)], cb_v)

    def body(r, _):
        cvec = ca_v[r, pl.ds(0, CW)] + cb_v[r, pl.ds(0, CW)]
        invv = 1.0 / cvec
        for j in range(D // 16):
            s = a_v[r, pl.ds(j * 16, 16)] + b_v[r, pl.ds(j * 16, 16)]
            a_v[r, pl.ds(j * 16, 16)] = s * invv
        return ()

    lax.fori_loop(0, HALF, body, ())
    pltpu.sync_copy(a_v, pooled_hbm.at[pl.ds(row0, HALF)])


@functools.partial(
    pl.kernel,
    out_type=jax.ShapeDtypeStruct((NNZ, D), _f32),
    mesh=_mesh,
    compiler_params=pltpu.CompilerParams(use_tc_tiling_on_sc=False),
    scratch_types=[
        pltpu.VMEM((CHUNK,), jnp.int32),
        pltpu.VMEM((CHUNK, D), _f32),
        pltpu.SemaphoreType.DMA,
    ],
)
def _gather(seg_hbm, pooled_hbm, out_hbm, idx_v, row_v, sem):
    core = lax.axis_index("c")
    sub = lax.axis_index("s")
    wid = sub * NC + core

    def body(ci, _):
        base = wid * PER_W + ci * CHUNK
        pltpu.sync_copy(seg_hbm.at[pl.ds(base, CHUNK)], idx_v)
        pltpu.async_copy(pooled_hbm.at[idx_v], row_v, sem).wait()
        is_tail = jnp.logical_and(wid == TAIL_W, ci == TAIL_C)

        @pl.when(jnp.logical_not(is_tail))
        def _():
            pltpu.sync_copy(row_v, out_hbm.at[pl.ds(base, CHUNK)])

        @pl.when(is_tail)
        def _():
            pltpu.sync_copy(row_v.at[pl.ds(0, TAIL_N)],
                            out_hbm.at[pl.ds(TAIL_W * PER_W + TAIL_C * CHUNK,
                                             TAIL_N)])
        return ()

    lax.fori_loop(0, NCHUNK, body, ())


def kernel(index, values):
    seg = index[1].astype(jnp.int32)
    seg_pad = jnp.concatenate(
        [seg, jnp.full((NNZ_PAD - NNZ,), N_COLS, dtype=jnp.int32)])
    k = jnp.arange(NCH_TOT, dtype=jnp.int32)[:, None]
    j = jnp.arange(SLOT, dtype=jnp.int32)[None, :]
    base = jnp.minimum(k * CH, A_BASE)
    row = base + j
    valid = ((k < SPEC_K) & (j < CH)) | (
        (k == SPEC_K) & (j >= SPEC_J0) & (j < LOAD))
    sched = jnp.where(valid, seg[jnp.clip(row, 0, NNZ - 1)],
                      N_COLS).reshape(-1)
    zrow = jnp.zeros((SLOT, D), dtype=_f32)
    zcnt = jnp.zeros((SLOT, CW), dtype=_f32)
    ones = jnp.ones((SLOT, CW), dtype=_f32)
    psum, pcnt = _accumulate(sched, values, zrow, zcnt, ones)
    pooled = _combine(psum, pcnt)
    return _gather(seg_pad, pooled)

# --- scband reference (transcript-rebuilt; emitter-appended) ---
"""Pipeline reference for scband-pool-25503515803835 (READ-ONLY COPY).

The authoritative reference and input builder live on the scoring server;
editing this copy changes nothing except your own understanding.
"""

import jax, jax.numpy as jnp
import numpy as np

N_ROWS = 16384
N_COLS = 16384
NNZ = 268435
D = 64
AXIS = 0

def setup_inputs(seed: int = 0) -> dict:
    key = jax.random.key(seed)
    # Build UNIQUE (row, col) indices deterministically so the sparse tensor is
    # already coalesced (matches torch .coalesce() semantics exactly).
    # stride is odd -> coprime with N_ROWS*N_COLS = 2**28, so linear ids are unique.
    stride = np.int64(2654435761)
    linear = (np.arange(NNZ, dtype=np.int64) * stride) % np.int64(N_ROWS * N_COLS)
    row = linear // N_COLS
    col = linear % N_COLS
    index = jnp.asarray(np.stack([row, col], axis=0), dtype=jnp.int64)
    kv = jax.random.fold_in(key, 1)
    values = jax.random.normal(kv, (NNZ, D), dtype=jnp.float32)
    return {"index": index, "values": values}


def reference(index, values):
    # Pool across rows (axis=0) of the sparse matrix: mean of values per column,
    # then map the pooled representation back to each nonzero entry.
    seg = index[1 - AXIS, :]  # column id of each nonzero (axis=0 -> pool over rows)
    num_segments = N_COLS if AXIS == 0 else N_ROWS
    # torch.sparse.sum(tens, dim=(axis,)).to_dense() -> dense [num_segments, D]
    output = jax.ops.segment_sum(values, seg, num_segments=num_segments)
    # count of nonzeros per segment (ones_like(values[:, 0:1]) scattered)
    ones = jnp.ones((values.shape[0], 1), dtype=values.dtype)
    n = jax.ops.segment_sum(ones, seg, num_segments=num_segments)
    pooled = output / n
    # index_select(pooled, 0, index[1 - axis])
    return jnp.take(pooled, seg, axis=0)

if __name__ == "__main__":
    import jax
    _d = setup_inputs()
    print(jax.jit(kernel)(*tuple(_d.values())))

</pallas_src>

<mosaic_0001>
#map = affine_map<(d0, d1) -> (0)>
#map1 = affine_map<(d0, d1) -> (0, 0)>
#map2 = affine_map<(d0, d1) -> (0, 0, 0)>
module attributes {stable_mosaic.version = 14 : i64} {
  func.func @_accumulate(%arg0: i32, %arg1: i32, %arg2: memref<278528xi32, #tpu.memory_space<hbm>>, %arg3: memref<268435x64xf32, #tpu.memory_space<hbm>>, %arg4: memref<272x64xf32, #tpu.memory_space<hbm>>, %arg5: memref<272x16xf32, #tpu.memory_space<hbm>>, %arg6: memref<272x16xf32, #tpu.memory_space<hbm>>, %arg7: memref<2x16640x64xf32, #tpu.memory_space<hbm>>, %arg8: memref<2x16640x16xf32, #tpu.memory_space<hbm>>, %arg9: memref<16640x64xf32, #tpu.memory_space<vmem_shared>>, %arg10: memref<16640x16xf32, #tpu.memory_space<vmem_shared>>, %arg11: memref<272xi32, #tpu.memory_space<vmem>>, %arg12: memref<272xi32, #tpu.memory_space<vmem>>, %arg13: memref<272x64xf32, #tpu.memory_space<vmem>>, %arg14: memref<272x64xf32, #tpu.memory_space<vmem>>, %arg15: memref<272x16xf32, #tpu.memory_space<vmem>>, %arg16: memref<!tpu.dma_semaphore, #tpu.memory_space<semaphore_mem>>, %arg17: memref<!tpu.dma_semaphore, #tpu.memory_space<semaphore_mem>>, %arg18: memref<!tpu.dma_semaphore, #tpu.memory_space<semaphore_mem>>, %arg19: memref<!tpu.dma_semaphore, #tpu.memory_space<semaphore_mem>>) attributes {dimension_semantics = [#tpu.dimension_semantics<core_parallel>, #tpu.dimension_semantics<subcore_parallel>], iteration_bounds = array<i64: 2, 16>, scalar_prefetch = 0 : i64, scratch_operands = 11 : i64, tpu.core_type = #tpu.core_type<sc_vector_subcore>, window_params = [{transform_indices = #map}, {transform_indices = #map1}, {transform_indices = #map1}, {transform_indices = #map1}, {transform_indices = #map1}, {transform_indices = #map2}, {transform_indices = #map2}]} {
    %mul3A = arith.constant 2 : i32
    %mul3A_0 = arith.muli %arg1, %mul3A : i32
    %add3A = arith.addi %mul3A_0, %arg0 : i32
    "tpu.region"() ({
      %run_scoped3A = tpu.sem_alloc : memref<!tpu.dma_semaphore, #tpu.memory_space<semaphore_mem>>
      tpu.enqueue_dma source(%arg4 : memref<272x64xf32, #tpu.memory_space<hbm>>) target(%arg13 : memref<272x64xf32, #tpu.memory_space<vmem>>) target_semaphore(%run_scoped3A : memref<!tpu.dma_semaphore, #tpu.memory_space<semaphore_mem>>)
      tpu.wait_dma2 semaphore(%run_scoped3A : memref<!tpu.dma_semaphore, #tpu.memory_space<semaphore_mem>>) src(%arg4 : memref<272x64xf32, #tpu.memory_space<hbm>>) dst(%arg13 : memref<272x64xf32, #tpu.memory_space<vmem>>)
      tpu.yield
    }) : () -> ()
    "tpu.region"() ({
      %run_scoped3A = tpu.sem_alloc : memref<!tpu.dma_semaphore, #tpu.memory_space<semaphore_mem>>
      tpu.enqueue_dma source(%arg5 : memref<272x16xf32, #tpu.memory_space<hbm>>) target(%arg15 : memref<272x16xf32, #tpu.memory_space<vmem>>) target_semaphore(%run_scoped3A : memref<!tpu.dma_semaphore, #tpu.memory_space<semaphore_mem>>)
      tpu.wait_dma2 semaphore(%run_scoped3A : memref<!tpu.dma_semaphore, #tpu.memory_space<semaphore_mem>>) src(%arg5 : memref<272x16xf32, #tpu.memory_space<hbm>>) dst(%arg15 : memref<272x16xf32, #tpu.memory_space<vmem>>)
      tpu.yield
    }) : () -> ()
    %mul3A_1 = arith.constant 1040 : i32
    %mul3A_2 = arith.muli %arg1, %mul3A_1 : i32
    %add3A_3 = arith.constant 0 : i32
    %add3A_4 = arith.addi %mul3A_2, %add3A_3 : i32
    "tpu.region"() ({
      %run_scoped3A = tpu.sem_alloc : memref<!tpu.dma_semaphore, #tpu.memory_space<semaphore_mem>>
      %dma_start3A_62 = arith.constant 0 : i32
      %dma_start3A_63 = tpu.memref_slice %arg9[%add3A_4, %dma_start3A_62] : memref<16640x64xf32, #tpu.memory_space<vmem_shared>> -> memref<272x64xf32, #tpu.memory_space<vmem_shared>>
      %dma_start3A_64 = arith.constant 0 : i32
      %dma_start3A_65 = tpu.memref_slice %arg9[%add3A_4, %dma_start3A_64] : memref<16640x64xf32, #tpu.memory_space<vmem_shared>> -> memref<272x64xf32, #tpu.memory_space<vmem_shared>>
      tpu.enqueue_dma source(%arg13 : memref<272x64xf32, #tpu.memory_space<vmem>>) target(%dma_start3A_65 : memref<272x64xf32, #tpu.memory_space<vmem_shared>>) target_semaphore(%run_scoped3A : memref<!tpu.dma_semaphore, #tpu.memory_space<semaphore_mem>>)
      %dma_wait3A = arith.constant 0 : i32
      %dma_wait3A_66 = tpu.memref_slice %arg9[%add3A_4, %dma_wait3A] : memref<16640x64xf32, #tpu.memory_space<vmem_shared>> -> memref<272x64xf32, #tpu.memory_space<vmem_shared>>
      %dma_wait3A_67 = arith.constant 0 : i32
      %dma_wait3A_68 = tpu.memref_slice %arg9[%add3A_4, %dma_wait3A_67] : memref<16640x64xf32, #tpu.memory_space<vmem_shared>> -> memref<272x64xf32, #tpu.memory_space<vmem_shared>>
      tpu.wait_dma2 semaphore(%run_scoped3A : memref<!tpu.dma_semaphore, #tpu.memory_space<semaphore_mem>>) src(%arg13 : memref<272x64xf32, #tpu.memory_space<vmem>>) dst(%dma_wait3A_68 : memref<272x64xf32, #tpu.memory_space<vmem_shared>>)
      tpu.yield
    }) : () -> ()
    %add3A_5 = arith.constant 0 : i32
    %add3A_6 = arith.addi %mul3A_2, %add3A_5 : i32
    "tpu.region"() ({
      %run_scoped3A = tpu.sem_alloc : memref<!tpu.dma_semaphore, #tpu.memory_space<semaphore_mem>>
      %dma_start3A_62 = arith.constant 0 : i32
      %dma_start3A_63 = tpu.memref_slice %arg10[%add3A_6, %dma_start3A_62] : memref<16640x16xf32, #tpu.memory_space<vmem_shared>> -> memref<272x16xf32, #tpu.memory_space<vmem_shared>>
      %dma_start3A_64 = arith.constant 0 : i32
      %dma_start3A_65 = tpu.memref_slice %arg10[%add3A_6, %dma_start3A_64] : memref<16640x16xf32, #tpu.memory_space<vmem_shared>> -> memref<272x16xf32, #tpu.memory_space<vmem_shared>>
      tpu.enqueue_dma source(%arg15 : memref<272x16xf32, #tpu.memory_space<vmem>>) target(%dma_start3A_65 : memref<272x16xf32, #tpu.memory_space<vmem_shared>>) target_semaphore(%run_scoped3A : memref<!tpu.dma_semaphore, #tpu.memory_space<semaphore_mem>>)
      %dma_wait3A = arith.constant 0 : i32
      %dma_wait3A_66 = tpu.memref_slice %arg10[%add3A_6, %dma_wait3A] : memref<16640x16xf32, #tpu.memory_space<vmem_shared>> -> memref<272x16xf32, #tpu.memory_space<vmem_shared>>
      %dma_wait3A_67 = arith.constant 0 : i32
      %dma_wait3A_68 = tpu.memref_slice %arg10[%add3A_6, %dma_wait3A_67] : memref<16640x16xf32, #tpu.memory_space<vmem_shared>> -> memref<272x16xf32, #tpu.memory_space<vmem_shared>>
      tpu.wait_dma2 semaphore(%run_scoped3A : memref<!tpu.dma_semaphore, #tpu.memory_space<semaphore_mem>>) src(%arg15 : memref<272x16xf32, #tpu.memory_space<vmem>>) dst(%dma_wait3A_68 : memref<272x16xf32, #tpu.memory_space<vmem_shared>>)
      tpu.yield
    }) : () -> ()
    %add3A_7 = arith.constant 272 : i32
    %add3A_8 = arith.addi %mul3A_2, %add3A_7 : i32
    "tpu.region"() ({
      %run_scoped3A = tpu.sem_alloc : memref<!tpu.dma_semaphore, #tpu.memory_space<semaphore_mem>>
      %dma_start3A_62 = arith.constant 0 : i32
      %dma_start3A_63 = tpu.memref_slice %arg9[%add3A_8, %dma_start3A_62] : memref<16640x64xf32, #tpu.memory_space<vmem_shared>> -> memref<272x64xf32, #tpu.memory_space<vmem_shared>>
      %dma_start3A_64 = arith.constant 0 : i32
      %dma_start3A_65 = tpu.memref_slice %arg9[%add3A_8, %dma_start3A_64] : memref<16640x64xf32, #tpu.memory_space<vmem_shared>> -> memref<272x64xf32, #tpu.memory_space<vmem_shared>>
      tpu.enqueue_dma source(%arg13 : memref<272x64xf32, #tpu.memory_space<vmem>>) target(%dma_start3A_65 : memref<272x64xf32, #tpu.memory_space<vmem_shared>>) target_semaphore(%run_scoped3A : memref<!tpu.dma_semaphore, #tpu.memory_space<semaphore_mem>>)
      %dma_wait3A = arith.constant 0 : i32
      %dma_wait3A_66 = tpu.memref_slice %arg9[%add3A_8, %dma_wait3A] : memref<16640x64xf32, #tpu.memory_space<vmem_shared>> -> memref<272x64xf32, #tpu.memory_space<vmem_shared>>
      %dma_wait3A_67 = arith.constant 0 : i32
      %dma_wait3A_68 = tpu.memref_slice %arg9[%add3A_8, %dma_wait3A_67] : memref<16640x64xf32, #tpu.memory_space<vmem_shared>> -> memref<272x64xf32, #tpu.memory_space<vmem_shared>>
      tpu.wait_dma2 semaphore(%run_scoped3A : memref<!tpu.dma_semaphore, #tpu.memory_space<semaphore_mem>>) src(%arg13 : memref<272x64xf32, #tpu.memory_space<vmem>>) dst(%dma_wait3A_68 : memref<272x64xf32, #tpu.memory_space<vmem_shared>>)
      tpu.yield
    }) : () -> ()
    %add3A_9 = arith.constant 272 : i32
    %add3A_10 = arith.addi %mul3A_2, %add3A_9 : i32
    "tpu.region"() ({
      %run_scoped3A = tpu.sem_alloc : memref<!tpu.dma_semaphore, #tpu.memory_space<semaphore_mem>>
      %dma_start3A_62 = arith.constant 0 : i32
      %dma_start3A_63 = tpu.memref_slice %arg10[%add3A_10, %dma_start3A_62] : memref<16640x16xf32, #tpu.memory_space<vmem_shared>> -> memref<272x16xf32, #tpu.memory_space<vmem_shared>>
      %dma_start3A_64 = arith.constant 0 : i32
      %dma_start3A_65 = tpu.memref_slice %arg10[%add3A_10, %dma_start3A_64] : memref<16640x16xf32, #tpu.memory_space<vmem_shared>> -> memref<272x16xf32, #tpu.memory_space<vmem_shared>>
      tpu.enqueue_dma source(%arg15 : memref<272x16xf32, #tpu.memory_space<vmem>>) target(%dma_start3A_65 : memref<272x16xf32, #tpu.memory_space<vmem_shared>>) target_semaphore(%run_scoped3A : memref<!tpu.dma_semaphore, #tpu.memory_space<semaphore_mem>>)
      %dma_wait3A = arith.constant 0 : i32
      %dma_wait3A_66 = tpu.memref_slice %arg10[%add3A_10, %dma_wait3A] : memref<16640x16xf32, #tpu.memory_space<vmem_shared>> -> memref<272x16xf32, #tpu.memory_space<vmem_shared>>
      %dma_wait3A_67 = arith.constant 0 : i32
      %dma_wait3A_68 = tpu.memref_slice %arg10[%add3A_10, %dma_wait3A_67] : memref<16640x16xf32, #tpu.memory_space<vmem_shared>> -> memref<272x16xf32, #tpu.memory_space<vmem_shared>>
      tpu.wait_dma2 semaphore(%run_scoped3A : memref<!tpu.dma_semaphore, #tpu.memory_space<semaphore_mem>>) src(%arg15 : memref<272x16xf32, #tpu.memory_space<vmem>>) dst(%dma_wait3A_68 : memref<272x16xf32, #tpu.memory_space<vmem_shared>>)
      tpu.yield
    }) : () -> ()
    %add3A_11 = arith.constant 544 : i32
    %add3A_12 = arith.addi %mul3A_2, %add3A_11 : i32
    "tpu.region"() ({
      %run_scoped3A = tpu.sem_alloc : memref<!tpu.dma_semaphore, #tpu.memory_space<semaphore_mem>>
      %dma_start3A_62 = arith.constant 0 : i32
      %dma_start3A_63 = tpu.memref_slice %arg9[%add3A_12, %dma_start3A_62] : memref<16640x64xf32, #tpu.memory_space<vmem_shared>> -> memref<272x64xf32, #tpu.memory_space<vmem_shared>>
      %dma_start3A_64 = arith.constant 0 : i32
      %dma_start3A_65 = tpu.memref_slice %arg9[%add3A_12, %dma_start3A_64] : memref<16640x64xf32, #tpu.memory_space<vmem_shared>> -> memref<272x64xf32, #tpu.memory_space<vmem_shared>>
      tpu.enqueue_dma source(%arg13 : memref<272x64xf32, #tpu.memory_space<vmem>>) target(%dma_start3A_65 : memref<272x64xf32, #tpu.memory_space<vmem_shared>>) target_semaphore(%run_scoped3A : memref<!tpu.dma_semaphore, #tpu.memory_space<semaphore_mem>>)
      %dma_wait3A = arith.constant 0 : i32
      %dma_wait3A_66 = tpu.memref_slice %arg9[%add3A_12, %dma_wait3A] : memref<16640x64xf32, #tpu.memory_space<vmem_shared>> -> memref<272x64xf32, #tpu.memory_space<vmem_shared>>
      %dma_wait3A_67 = arith.constant 0 : i32
      %dma_wait3A_68 = tpu.memref_slice %arg9[%add3A_12, %dma_wait3A_67] : memref<16640x64xf32, #tpu.memory_space<vmem_shared>> -> memref<272x64xf32, #tpu.memory_space<vmem_shared>>
      tpu.wait_dma2 semaphore(%run_scoped3A : memref<!tpu.dma_semaphore, #tpu.memory_space<semaphore_mem>>) src(%arg13 : memref<272x64xf32, #tpu.memory_space<vmem>>) dst(%dma_wait3A_68 : memref<272x64xf32, #tpu.memory_space<vmem_shared>>)
      tpu.yield
    }) : () -> ()
    %add3A_13 = arith.constant 544 : i32
    %add3A_14 = arith.addi %mul3A_2, %add3A_13 : i32
    "tpu.region"() ({
      %run_scoped3A = tpu.sem_alloc : memref<!tpu.dma_semaphore, #tpu.memory_space<semaphore_mem>>
      %dma_start3A_62 = arith.constant 0 : i32
      %dma_start3A_63 = tpu.memref_slice %arg10[%add3A_14, %dma_start3A_62] : memref<16640x16xf32, #tpu.memory_space<vmem_shared>> -> memref<272x16xf32, #tpu.memory_space<vmem_shared>>
      %dma_start3A_64 = arith.constant 0 : i32
      %dma_start3A_65 = tpu.memref_slice %arg10[%add3A_14, %dma_start3A_64] : memref<16640x16xf32, #tpu.memory_space<vmem_shared>> -> memref<272x16xf32, #tpu.memory_space<vmem_shared>>
      tpu.enqueue_dma source(%arg15 : memref<272x16xf32, #tpu.memory_space<vmem>>) target(%dma_start3A_65 : memref<272x16xf32, #tpu.memory_space<vmem_shared>>) target_semaphore(%run_scoped3A : memref<!tpu.dma_semaphore, #tpu.memory_space<semaphore_mem>>)
      %dma_wait3A = arith.constant 0 : i32
      %dma_wait3A_66 = tpu.memref_slice %arg10[%add3A_14, %dma_wait3A] : memref<16640x16xf32, #tpu.memory_space<vmem_shared>> -> memref<272x16xf32, #tpu.memory_space<vmem_shared>>
      %dma_wait3A_67 = arith.constant 0 : i32
      %dma_wait3A_68 = tpu.memref_slice %arg10[%add3A_14, %dma_wait3A_67] : memref<16640x16xf32, #tpu.memory_space<vmem_shared>> -> memref<272x16xf32, #tpu.memory_space<vmem_shared>>
      tpu.wait_dma2 semaphore(%run_scoped3A : memref<!tpu.dma_semaphore, #tpu.memory_space<semaphore_mem>>) src(%arg15 : memref<272x16xf32, #tpu.memory_space<vmem>>) dst(%dma_wait3A_68 : memref<272x16xf32, #tpu.memory_space<vmem_shared>>)
      tpu.yield
    }) : () -> ()
    %add3A_15 = arith.constant 768 : i32
    %add3A_16 = arith.addi %mul3A_2, %add3A_15 : i32
    "tpu.region"() ({
      %run_scoped3A = tpu.sem_alloc : memref<!tpu.dma_semaphore, #tpu.memory_space<semaphore_mem>>
      %dma_start3A_62 = arith.constant 0 : i32
      %dma_start3A_63 = tpu.memref_slice %arg9[%add3A_16, %dma_start3A_62] : memref<16640x64xf32, #tpu.memory_space<vmem_shared>> -> memref<272x64xf32, #tpu.memory_space<vmem_shared>>
      %dma_start3A_64 = arith.constant 0 : i32
      %dma_start3A_65 = tpu.memref_slice %arg9[%add3A_16, %dma_start3A_64] : memref<16640x64xf32, #tpu.memory_space<vmem_shared>> -> memref<272x64xf32, #tpu.memory_space<vmem_shared>>
      tpu.enqueue_dma source(%arg13 : memref<272x64xf32, #tpu.memory_space<vmem>>) target(%dma_start3A_65 : memref<272x64xf32, #tpu.memory_space<vmem_shared>>) target_semaphore(%run_scoped3A : memref<!tpu.dma_semaphore, #tpu.memory_space<semaphore_mem>>)
      %dma_wait3A = arith.constant 0 : i32
      %dma_wait3A_66 = tpu.memref_slice %arg9[%add3A_16, %dma_wait3A] : memref<16640x64xf32, #tpu.memory_space<vmem_shared>> -> memref<272x64xf32, #tpu.memory_space<vmem_shared>>
      %dma_wait3A_67 = arith.constant 0 : i32
      %dma_wait3A_68 = tpu.memref_slice %arg9[%add3A_16, %dma_wait3A_67] : memref<16640x64xf32, #tpu.memory_space<vmem_shared>> -> memref<272x64xf32, #tpu.memory_space<vmem_shared>>
      tpu.wait_dma2 semaphore(%run_scoped3A : memref<!tpu.dma_semaphore, #tpu.memory_space<semaphore_mem>>) src(%arg13 : memref<272x64xf32, #tpu.memory_space<vmem>>) dst(%dma_wait3A_68 : memref<272x64xf32, #tpu.memory_space<vmem_shared>>)
      tpu.yield
    }) : () -> ()
    %add3A_17 = arith.constant 768 : i32
    %add3A_18 = arith.addi %mul3A_2, %add3A_17 : i32
    "tpu.region"() ({
      %run_scoped3A = tpu.sem_alloc : memref<!tpu.dma_semaphore, #tpu.memory_space<semaphore_mem>>
      %dma_start3A_62 = arith.constant 0 : i32
      %dma_start3A_63 = tpu.memref_slice %arg10[%add3A_18, %dma_start3A_62] : memref<16640x16xf32, #tpu.memory_space<vmem_shared>> -> memref<272x16xf32, #tpu.memory_space<vmem_shared>>
      %dma_start3A_64 = arith.constant 0 : i32
      %dma_start3A_65 = tpu.memref_slice %arg10[%add3A_18, %dma_start3A_64] : memref<16640x16xf32, #tpu.memory_space<vmem_shared>> -> memref<272x16xf32, #tpu.memory_space<vmem_shared>>
      tpu.enqueue_dma source(%arg15 : memref<272x16xf32, #tpu.memory_space<vmem>>) target(%dma_start3A_65 : memref<272x16xf32, #tpu.memory_space<vmem_shared>>) target_semaphore(%run_scoped3A : memref<!tpu.dma_semaphore, #tpu.memory_space<semaphore_mem>>)
      %dma_wait3A = arith.constant 0 : i32
      %dma_wait3A_66 = tpu.memref_slice %arg10[%add3A_18, %dma_wait3A] : memref<16640x16xf32, #tpu.memory_space<vmem_shared>> -> memref<272x16xf32, #tpu.memory_space<vmem_shared>>
      %dma_wait3A_67 = arith.constant 0 : i32
      %dma_wait3A_68 = tpu.memref_slice %arg10[%add3A_18, %dma_wait3A_67] : memref<16640x16xf32, #tpu.memory_space<vmem_shared>> -> memref<272x16xf32, #tpu.memory_space<vmem_shared>>
      tpu.wait_dma2 semaphore(%run_scoped3A : memref<!tpu.dma_semaphore, #tpu.memory_space<semaphore_mem>>) src(%arg15 : memref<272x16xf32, #tpu.memory_space<vmem>>) dst(%dma_wait3A_68 : memref<272x16xf32, #tpu.memory_space<vmem_shared>>)
      tpu.yield
    }) : () -> ()
    "tpu.region"() ({
      %run_scoped3A = tpu.sem_alloc : memref<!tpu.dma_semaphore, #tpu.memory_space<semaphore_mem>>
      tpu.enqueue_dma source(%arg6 : memref<272x16xf32, #tpu.memory_space<hbm>>) target(%arg15 : memref<272x16xf32, #tpu.memory_space<vmem>>) target_semaphore(%run_scoped3A : memref<!tpu.dma_semaphore, #tpu.memory_space<semaphore_mem>>)
      tpu.wait_dma2 semaphore(%run_scoped3A : memref<!tpu.dma_semaphore, #tpu.memory_space<semaphore_mem>>) src(%arg6 : memref<272x16xf32, #tpu.memory_space<hbm>>) dst(%arg15 : memref<272x16xf32, #tpu.memory_space<vmem>>)
      tpu.yield
    }) : () -> ()
    %barrier3A = arith.constant 0 : index
    tpu.barrier barrier_id(%barrier3A)
    %mul3A_19 = arith.constant 32 : i32
    %mul3A_20 = arith.muli %add3A, %mul3A_19 : i32
    %mul3A_21 = arith.constant 264 : i32
    %mul3A_22 = arith.muli %mul3A_20, %mul3A_21 : i32
    %min3A = arith.constant 268168 : i32
    %min3A_23 = arith.minsi %mul3A_22, %min3A : i32
    %mul3A_24 = arith.constant 272 : i32
    %mul3A_25 = arith.muli %mul3A_20, %mul3A_24 : i32
    %dma_start3A = tpu.memref_slice %arg2[%mul3A_25] : memref<278528xi32, #tpu.memory_space<hbm>> -> memref<272xi32, #tpu.memory_space<hbm>>
    %dma_start3A_26 = tpu.memref_slice %arg2[%mul3A_25] : memref<278528xi32, #tpu.memory_space<hbm>> -> memref<272xi32, #tpu.memory_space<hbm>>
    tpu.enqueue_dma source(%dma_start3A_26 : memref<272xi32, #tpu.memory_space<hbm>>) target(%arg11 : memref<272xi32, #tpu.memory_space<vmem>>) target_semaphore(%arg16 : memref<!tpu.dma_semaphore, #tpu.memory_space<semaphore_mem>>)
    %dma_start3A_27 = arith.constant 0 : i32
    %dma_start3A_28 = arith.constant 0 : i32
    %dma_start3A_29 = tpu.memref_slice %arg13[%dma_start3A_27, %dma_start3A_28] : memref<272x64xf32, #tpu.memory_space<vmem>> -> memref<267x64xf32, #tpu.memory_space<vmem>>
    %dma_start3A_30 = arith.constant 0 : i32
    %dma_start3A_31 = tpu.memref_slice %arg3[%min3A_23, %dma_start3A_30] : memref<268435x64xf32, #tpu.memory_space<hbm>> -> memref<267x64xf32, #tpu.memory_space<hbm>>
    %dma_start3A_32 = arith.constant 0 : i32
    %dma_start3A_33 = arith.constant 0 : i32
    %dma_start3A_34 = tpu.memref_slice %arg13[%dma_start3A_32, %dma_start3A_33] : memref<272x64xf32, #tpu.memory_space<vmem>> -> memref<267x64xf32, #tpu.memory_space<vmem>>
    %dma_start3A_35 = arith.constant 0 : i32
    %dma_start3A_36 = tpu.memref_slice %arg3[%min3A_23, %dma_start3A_35] : memref<268435x64xf32, #tpu.memory_space<hbm>> -> memref<267x64xf32, #tpu.memory_space<hbm>>
    tpu.enqueue_dma source(%dma_start3A_36 : memref<267x64xf32, #tpu.memory_space<hbm>>) target(%dma_start3A_34 : memref<267x64xf32, #tpu.memory_space<vmem>>) target_semaphore(%arg17 : memref<!tpu.dma_semaphore, #tpu.memory_space<semaphore_mem>>)
    %add3A_37 = arith.constant 1 : i32
    %add3A_38 = arith.addi %mul3A_20, %add3A_37 : i32
    %mul3A_39 = arith.constant 264 : i32
    %mul3A_40 = arith.muli %add3A_38, %mul3A_39 : i32
    %min3A_41 = arith.constant 268168 : i32
    %min3A_42 = arith.minsi %mul3A_40, %min3A_41 : i32
    %mul3A_43 = arith.constant 272 : i32
    %mul3A_44 = arith.muli %add3A_38, %mul3A_43 : i32
    %dma_start3A_45 = tpu.memref_slice %arg2[%mul3A_44] : memref<278528xi32, #tpu.memory_space<hbm>> -> memref<272xi32, #tpu.memory_space<hbm>>
    %dma_start3A_46 = tpu.memref_slice %arg2[%mul3A_44] : memref<278528xi32, #tpu.memory_space<hbm>> -> memref<272xi32, #tpu.memory_space<hbm>>
    tpu.enqueue_dma source(%dma_start3A_46 : memref<272xi32, #tpu.memory_space<hbm>>) target(%arg12 : memref<272xi32, #tpu.memory_space<vmem>>) target_semaphore(%arg18 : memref<!tpu.dma_semaphore, #tpu.memory_space<semaphore_mem>>)
    %dma_start3A_47 = arith.constant 0 : i32
    %dma_start3A_48 = arith.constant 0 : i32
    %dma_start3A_49 = tpu.memref_slice %arg14[%dma_start3A_47, %dma_start3A_48] : memref<272x64xf32, #tpu.memory_space<vmem>> -> memref<267x64xf32, #tpu.memory_space<vmem>>
    %dma_start3A_50 = arith.constant 0 : i32
    %dma_start3A_51 = tpu.memref_slice %arg3[%min3A_42, %dma_start3A_50] : memref<268435x64xf32, #tpu.memory_space<hbm>> -> memref<267x64xf32, #tpu.memory_space<hbm>>
    %dma_start3A_52 = arith.constant 0 : i32
    %dma_start3A_53 = arith.constant 0 : i32
    %dma_start3A_54 = tpu.memref_slice %arg14[%dma_start3A_52, %dma_start3A_53] : memref<272x64xf32, #tpu.memory_space<vmem>> -> memref<267x64xf32, #tpu.memory_space<vmem>>
    %dma_start3A_55 = arith.constant 0 : i32
    %dma_start3A_56 = tpu.memref_slice %arg3[%min3A_42, %dma_start3A_55] : memref<268435x64xf32, #tpu.memory_space<hbm>> -> memref<267x64xf32, #tpu.memory_space<hbm>>
    tpu.enqueue_dma source(%dma_start3A_56 : memref<267x64xf32, #tpu.memory_space<hbm>>) target(%dma_start3A_54 : memref<267x64xf32, #tpu.memory_space<vmem>>) target_semaphore(%arg19 : memref<!tpu.dma_semaphore, #tpu.memory_space<semaphore_mem>>)
    %scan3A = arith.constant 0 : i32
    %scan3A_57 = arith.constant 16 : i32
    %scan3A_58 = arith.addi %scan3A, %scan3A_57 : i32
    %scan3A_59 = arith.constant 1 : i32
    scf.for %scan3A_62 = %scan3A to %scan3A_58 step %scan3A_59  : i32 {
      %mul3A_63 = arith.constant 2 : i32
      %mul3A_64 = arith.muli %mul3A_63, %scan3A_62 : i32
      %add3A_65 = arith.addi %mul3A_20, %mul3A_64 : i32
      %mul3A_66 = arith.constant 264 : i32
      %mul3A_67 = arith.muli %add3A_65, %mul3A_66 : i32
      %min3A_68 = arith.constant 268168 : i32
      %min3A_69 = arith.minsi %mul3A_67, %min3A_68 : i32
      %mul3A_70 = arith.constant 272 : i32
      %mul3A_71 = arith.muli %add3A_65, %mul3A_70 : i32
      %dma_wait3A = tpu.memref_slice %arg2[%mul3A_71] : memref<278528xi32, #tpu.memory_space<hbm>> -> memref<272xi32, #tpu.memory_space<hbm>>
      %dma_wait3A_72 = tpu.memref_slice %arg2[%mul3A_71] : memref<278528xi32, #tpu.memory_space<hbm>> -> memref<272xi32, #tpu.memory_space<hbm>>
      tpu.wait_dma2 semaphore(%arg16 : memref<!tpu.dma_semaphore, #tpu.memory_space<semaphore_mem>>) src(%dma_wait3A_72 : memref<272xi32, #tpu.memory_space<hbm>>) dst(%arg11 : memref<272xi32, #tpu.memory_space<vmem>>)
      %dma_wait3A_73 = arith.constant 0 : i32
      %dma_wait3A_74 = arith.constant 0 : i32
      %dma_wait3A_75 = tpu.memref_slice %arg13[%dma_wait3A_73, %dma_wait3A_74] : memref<272x64xf32, #tpu.memory_space<vmem>> -> memref<267x64xf32, #tpu.memory_space<vmem>>
      %dma_wait3A_76 = arith.constant 0 : i32
      %dma_wait3A_77 = tpu.memref_slice %arg3[%min3A_69, %dma_wait3A_76] : memref<268435x64xf32, #tpu.memory_space<hbm>> -> memref<267x64xf32, #tpu.memory_space<hbm>>
      %dma_wait3A_78 = arith.constant 0 : i32
      %dma_wait3A_79 = arith.constant 0 : i32
      %dma_wait3A_80 = tpu.memref_slice %arg13[%dma_wait3A_78, %dma_wait3A_79] : memref<272x64xf32, #tpu.memory_space<vmem>> -> memref<267x64xf32, #tpu.memory_space<vmem>>
      %dma_wait3A_81 = arith.constant 0 : i32
      %dma_wait3A_82 = tpu.memref_slice %arg3[%min3A_69, %dma_wait3A_81] : memref<268435x64xf32, #tpu.memory_space<hbm>> -> memref<267x64xf32, #tpu.memory_space<hbm>>
      tpu.wait_dma2 semaphore(%arg17 : memref<!tpu.dma_semaphore, #tpu.memory_space<semaphore_mem>>) src(%dma_wait3A_82 : memref<267x64xf32, #tpu.memory_space<hbm>>) dst(%dma_wait3A_80 : memref<267x64xf32, #tpu.memory_space<vmem>>)
      "tpu.region"() ({
        %run_scoped3A = tpu.sem_alloc : memref<!tpu.dma_semaphore, #tpu.memory_space<semaphore_mem>>
        %dma_start3A_110 = arith.constant 0 : i32
        %dma_start3A_111 = arith.constant 0 : i32
        %dma_start3A_112 = tpu.memref_slice %arg9[%dma_start3A_110, %dma_start3A_111] : memref<16640x64xf32, #tpu.memory_space<vmem_shared>> -> memref<16640x64xf32, #tpu.memory_space<vmem_shared>>
        tpu.enqueue_indirect_dma source(%arg13 : memref<272x64xf32, #tpu.memory_space<vmem>>) target(%dma_start3A_112 : memref<16640x64xf32, #tpu.memory_space<vmem_shared>>) offsets(%arg11 : memref<272xi32, #tpu.memory_space<vmem>>) semaphore(%run_scoped3A : memref<!tpu.dma_semaphore, #tpu.memory_space<semaphore_mem>>) {add = true}
        %dma_wait3A_113 = arith.constant 0 : i32
        %dma_wait3A_114 = arith.constant 0 : i32
        %dma_wait3A_115 = tpu.memref_slice %arg9[%dma_wait3A_113, %dma_wait3A_114] : memref<16640x64xf32, #tpu.memory_space<vmem_shared>> -> memref<16640x64xf32, #tpu.memory_space<vmem_shared>>
        tpu.wait_indirect_dma semaphore(%run_scoped3A : memref<!tpu.dma_semaphore, #tpu.memory_space<semaphore_mem>>) src(%arg13 : memref<272x64xf32, #tpu.memory_space<vmem>>) dst(%dma_wait3A_115 : memref<16640x64xf32, #tpu.memory_space<vmem_shared>>)
        tpu.yield
      }) : () -> ()
      "tpu.region"() ({
        %run_scoped3A = tpu.sem_alloc : memref<!tpu.dma_semaphore, #tpu.memory_space<semaphore_mem>>
        %dma_start3A_110 = arith.constant 0 : i32
        %dma_start3A_111 = arith.constant 0 : i32
        %dma_start3A_112 = tpu.memref_slice %arg10[%dma_start3A_110, %dma_start3A_111] : memref<16640x16xf32, #tpu.memory_space<vmem_shared>> -> memref<16640x16xf32, #tpu.memory_space<vmem_shared>>
        tpu.enqueue_indirect_dma source(%arg15 : memref<272x16xf32, #tpu.memory_space<vmem>>) target(%dma_start3A_112 : memref<16640x16xf32, #tpu.memory_space<vmem_shared>>) offsets(%arg11 : memref<272xi32, #tpu.memory_space<vmem>>) semaphore(%run_scoped3A : memref<!tpu.dma_semaphore, #tpu.memory_space<semaphore_mem>>) {add = true}
        %dma_wait3A_113 = arith.constant 0 : i32
        %dma_wait3A_114 = arith.constant 0 : i32
        %dma_wait3A_115 = tpu.memref_slice %arg10[%dma_wait3A_113, %dma_wait3A_114] : memref<16640x16xf32, #tpu.memory_space<vmem_shared>> -> memref<16640x16xf32, #tpu.memory_space<vmem_shared>>
        tpu.wait_indirect_dma semaphore(%run_scoped3A : memref<!tpu.dma_semaphore, #tpu.memory_space<semaphore_mem>>) src(%arg15 : memref<272x16xf32, #tpu.memory_space<vmem>>) dst(%dma_wait3A_115 : memref<16640x16xf32, #tpu.memory_space<vmem_shared>>)
        tpu.yield
      }) : () -> ()
      %lt3A = arith.constant 15 : i32
      %lt3A_83 = arith.cmpi slt, %scan3A_62, %lt3A : i32
      %convert_element_type3A = arith.extui %lt3A_83 : i1 to i32
      %cond3A = arith.constant 0 : i32
      %cond3A_84 = arith.cmpi ne, %convert_element_type3A, %cond3A : i32
      scf.if %cond3A_84 {
        %add3A_110 = arith.constant 2 : i32
        %add3A_111 = arith.addi %add3A_65, %add3A_110 : i32
        %mul3A_112 = arith.constant 264 : i32
        %mul3A_113 = arith.muli %add3A_111, %mul3A_112 : i32
        %min3A_114 = arith.constant 268168 : i32
        %min3A_115 = arith.minsi %mul3A_113, %min3A_114 : i32
        %mul3A_116 = arith.constant 272 : i32
        %mul3A_117 = arith.muli %add3A_111, %mul3A_116 : i32
        %dma_start3A_118 = tpu.memref_slice %arg2[%mul3A_117] : memref<278528xi32, #tpu.memory_space<hbm>> -> memref<272xi32, #tpu.memory_space<hbm>>
        %dma_start3A_119 = tpu.memref_slice %arg2[%mul3A_117] : memref<278528xi32, #tpu.memory_space<hbm>> -> memref<272xi32, #tpu.memory_space<hbm>>
        tpu.enqueue_dma source(%dma_start3A_119 : memref<272xi32, #tpu.memory_space<hbm>>) target(%arg11 : memref<272xi32, #tpu.memory_space<vmem>>) target_semaphore(%arg16 : memref<!tpu.dma_semaphore, #tpu.memory_space<semaphore_mem>>)
        %dma_start3A_120 = arith.constant 0 : i32
        %dma_start3A_121 = arith.constant 0 : i32
        %dma_start3A_122 = tpu.memref_slice %arg13[%dma_start3A_120, %dma_start3A_121] : memref<272x64xf32, #tpu.memory_space<vmem>> -> memref<267x64xf32, #tpu.memory_space<vmem>>
        %dma_start3A_123 = arith.constant 0 : i32
        %dma_start3A_124 = tpu.memref_slice %arg3[%min3A_115, %dma_start3A_123] : memref<268435x64xf32, #tpu.memory_space<hbm>> -> memref<267x64xf32, #tpu.memory_space<hbm>>
        %dma_start3A_125 = arith.constant 0 : i32
        %dma_start3A_126 = arith.constant 0 : i32
        %dma_start3A_127 = tpu.memref_slice %arg13[%dma_start3A_125, %dma_start3A_126] : memref<272x64xf32, #tpu.memory_space<vmem>> -> memref<267x64xf32, #tpu.memory_space<vmem>>
        %dma_start3A_128 = arith.constant 0 : i32
        %dma_start3A_129 = tpu.memref_slice %arg3[%min3A_115, %dma_start3A_128] : memref<268435x64xf32, #tpu.memory_space<hbm>> -> memref<267x64xf32, #tpu.memory_space<hbm>>
        tpu.enqueue_dma source(%dma_start3A_129 : memref<267x64xf32, #tpu.memory_space<hbm>>) target(%dma_start3A_127 : memref<267x64xf32, #tpu.memory_space<vmem>>) target_semaphore(%arg17 : memref<!tpu.dma_semaphore, #tpu.memory_space<semaphore_mem>>)
      } else {
      }
      %add3A_85 = arith.constant 1 : i32
      %add3A_86 = arith.addi %add3A_65, %add3A_85 : i32
      %mul3A_87 = arith.constant 264 : i32
      %mul3A_88 = arith.muli %add3A_86, %mul3A_87 : i32
      %min3A_89 = arith.constant 268168 : i32
      %min3A_90 = arith.minsi %mul3A_88, %min3A_89 : i32
      %mul3A_91 = arith.constant 272 : i32
      %mul3A_92 = arith.muli %add3A_86, %mul3A_91 : i32
      %dma_wait3A_93 = tpu.memref_slice %arg2[%mul3A_92] : memref<278528xi32, #tpu.memory_space<hbm>> -> memref<272xi32, #tpu.memory_space<hbm>>
      %dma_wait3A_94 = tpu.memref_slice %arg2[%mul3A_92] : memref<278528xi32, #tpu.memory_space<hbm>> -> memref<272xi32, #tpu.memory_space<hbm>>
      tpu.wait_dma2 semaphore(%arg18 : memref<!tpu.dma_semaphore, #tpu.memory_space<semaphore_mem>>) src(%dma_wait3A_94 : memref<272xi32, #tpu.memory_space<hbm>>) dst(%arg12 : memref<272xi32, #tpu.memory_space<vmem>>)
      %dma_wait3A_95 = arith.constant 0 : i32
      %dma_wait3A_96 = arith.constant 0 : i32
      %dma_wait3A_97 = tpu.memref_slice %arg14[%dma_wait3A_95, %dma_wait3A_96] : memref<272x64xf32, #tpu.memory_space<vmem>> -> memref<267x64xf32, #tpu.memory_space<vmem>>
      %dma_wait3A_98 = arith.constant 0 : i32
      %dma_wait3A_99 = tpu.memref_slice %arg3[%min3A_90, %dma_wait3A_98] : memref<268435x64xf32, #tpu.memory_space<hbm>> -> memref<267x64xf32, #tpu.memory_space<hbm>>
      %dma_wait3A_100 = arith.constant 0 : i32
      %dma_wait3A_101 = arith.constant 0 : i32
      %dma_wait3A_102 = tpu.memref_slice %arg14[%dma_wait3A_100, %dma_wait3A_101] : memref<272x64xf32, #tpu.memory_space<vmem>> -> memref<267x64xf32, #tpu.memory_space<vmem>>
      %dma_wait3A_103 = arith.constant 0 : i32
      %dma_wait3A_104 = tpu.memref_slice %arg3[%min3A_90, %dma_wait3A_103] : memref<268435x64xf32, #tpu.memory_space<hbm>> -> memref<267x64xf32, #tpu.memory_space<hbm>>
      tpu.wait_dma2 semaphore(%arg19 : memref<!tpu.dma_semaphore, #tpu.memory_space<semaphore_mem>>) src(%dma_wait3A_104 : memref<267x64xf32, #tpu.memory_space<hbm>>) dst(%dma_wait3A_102 : memref<267x64xf32, #tpu.memory_space<vmem>>)
      "tpu.region"() ({
        %run_scoped3A = tpu.sem_alloc : memref<!tpu.dma_semaphore, #tpu.memory_space<semaphore_mem>>
        %dma_start3A_110 = arith.constant 0 : i32
        %dma_start3A_111 = arith.constant 0 : i32
        %dma_start3A_112 = tpu.memref_slice %arg9[%dma_start3A_110, %dma_start3A_111] : memref<16640x64xf32, #tpu.memory_space<vmem_shared>> -> memref<16640x64xf32, #tpu.memory_space<vmem_shared>>
        tpu.enqueue_indirect_dma source(%arg14 : memref<272x64xf32, #tpu.memory_space<vmem>>) target(%dma_start3A_112 : memref<16640x64xf32, #tpu.memory_space<vmem_shared>>) offsets(%arg12 : memref<272xi32, #tpu.memory_space<vmem>>) semaphore(%run_scoped3A : memref<!tpu.dma_semaphore, #tpu.memory_space<semaphore_mem>>) {add = true}
        %dma_wait3A_113 = arith.constant 0 : i32
        %dma_wait3A_114 = arith.constant 0 : i32
        %dma_wait3A_115 = tpu.memref_slice %arg9[%dma_wait3A_113, %dma_wait3A_114] : memref<16640x64xf32, #tpu.memory_space<vmem_shared>> -> memref<16640x64xf32, #tpu.memory_space<vmem_shared>>
        tpu.wait_indirect_dma semaphore(%run_scoped3A : memref<!tpu.dma_semaphore, #tpu.memory_space<semaphore_mem>>) src(%arg14 : memref<272x64xf32, #tpu.memory_space<vmem>>) dst(%dma_wait3A_115 : memref<16640x64xf32, #tpu.memory_space<vmem_shared>>)
        tpu.yield
      }) : () -> ()
      "tpu.region"() ({
        %run_scoped3A = tpu.sem_alloc : memref<!tpu.dma_semaphore, #tpu.memory_space<semaphore_mem>>
        %dma_start3A_110 = arith.constant 0 : i32
        %dma_start3A_111 = arith.constant 0 : i32
        %dma_start3A_112 = tpu.memref_slice %arg10[%dma_start3A_110, %dma_start3A_111] : memref<16640x16xf32, #tpu.memory_space<vmem_shared>> -> memref<16640x16xf32, #tpu.memory_space<vmem_shared>>
        tpu.enqueue_indirect_dma source(%arg15 : memref<272x16xf32, #tpu.memory_space<vmem>>) target(%dma_start3A_112 : memref<16640x16xf32, #tpu.memory_space<vmem_shared>>) offsets(%arg12 : memref<272xi32, #tpu.memory_space<vmem>>) semaphore(%run_scoped3A : memref<!tpu.dma_semaphore, #tpu.memory_space<semaphore_mem>>) {add = true}
        %dma_wait3A_113 = arith.constant 0 : i32
        %dma_wait3A_114 = arith.constant 0 : i32
        %dma_wait3A_115 = tpu.memref_slice %arg10[%dma_wait3A_113, %dma_wait3A_114] : memref<16640x16xf32, #tpu.memory_space<vmem_shared>> -> memref<16640x16xf32, #tpu.memory_space<vmem_shared>>
        tpu.wait_indirect_dma semaphore(%run_scoped3A : memref<!tpu.dma_semaphore, #tpu.memory_space<semaphore_mem>>) src(%arg15 : memref<272x16xf32, #tpu.memory_space<vmem>>) dst(%dma_wait3A_115 : memref<16640x16xf32, #tpu.memory_space<vmem_shared>>)
        tpu.yield
      }) : () -> ()
      %lt3A_105 = arith.constant 15 : i32
      %lt3A_106 = arith.cmpi slt, %scan3A_62, %lt3A_105 : i32
      %convert_element_type3A_107 = arith.extui %lt3A_106 : i1 to i32
      %cond3A_108 = arith.constant 0 : i32
      %cond3A_109 = arith.cmpi ne, %convert_element_type3A_107, %cond3A_108 : i32
      scf.if %cond3A_109 {
        %add3A_110 = arith.constant 3 : i32
        %add3A_111 = arith.addi %add3A_65, %add3A_110 : i32
        %mul3A_112 = arith.constant 264 : i32
        %mul3A_113 = arith.muli %add3A_111, %mul3A_112 : i32
        %min3A_114 = arith.constant 268168 : i32
        %min3A_115 = arith.minsi %mul3A_113, %min3A_114 : i32
        %mul3A_116 = arith.constant 272 : i32
        %mul3A_117 = arith.muli %add3A_111, %mul3A_116 : i32
        %dma_start3A_118 = tpu.memref_slice %arg2[%mul3A_117] : memref<278528xi32, #tpu.memory_space<hbm>> -> memref<272xi32, #tpu.memory_space<hbm>>
        %dma_start3A_119 = tpu.memref_slice %arg2[%mul3A_117] : memref<278528xi32, #tpu.memory_space<hbm>> -> memref<272xi32, #tpu.memory_space<hbm>>
        tpu.enqueue_dma source(%dma_start3A_119 : memref<272xi32, #tpu.memory_space<hbm>>) target(%arg12 : memref<272xi32, #tpu.memory_space<vmem>>) target_semaphore(%arg18 : memref<!tpu.dma_semaphore, #tpu.memory_space<semaphore_mem>>)
        %dma_start3A_120 = arith.constant 0 : i32
        %dma_start3A_121 = arith.constant 0 : i32
        %dma_start3A_122 = tpu.memref_slice %arg14[%dma_start3A_120, %dma_start3A_121] : memref<272x64xf32, #tpu.memory_space<vmem>> -> memref<267x64xf32, #tpu.memory_space<vmem>>
        %dma_start3A_123 = arith.constant 0 : i32
        %dma_start3A_124 = tpu.memref_slice %arg3[%min3A_115, %dma_start3A_123] : memref<268435x64xf32, #tpu.memory_space<hbm>> -> memref<267x64xf32, #tpu.memory_space<hbm>>
        %dma_start3A_125 = arith.constant 0 : i32
        %dma_start3A_126 = arith.constant 0 : i32
        %dma_start3A_127 = tpu.memref_slice %arg14[%dma_start3A_125, %dma_start3A_126] : memref<272x64xf32, #tpu.memory_space<vmem>> -> memref<267x64xf32, #tpu.memory_space<vmem>>
        %dma_start3A_128 = arith.constant 0 : i32
        %dma_start3A_129 = tpu.memref_slice %arg3[%min3A_115, %dma_start3A_128] : memref<268435x64xf32, #tpu.memory_space<hbm>> -> memref<267x64xf32, #tpu.memory_space<hbm>>
        tpu.enqueue_dma source(%dma_start3A_129 : memref<267x64xf32, #tpu.memory_space<hbm>>) target(%dma_start3A_127 : memref<267x64xf32, #tpu.memory_space<vmem>>) target_semaphore(%arg19 : memref<!tpu.dma_semaphore, #tpu.memory_space<semaphore_mem>>)
      } else {
      }
    }
    %scan3A_60 = arith.constant 16 : i32
    %barrier3A_61 = arith.constant 0 : index
    tpu.barrier barrier_id(%barrier3A_61)
    "tpu.region"() ({
      %run_scoped3A = tpu.sem_alloc : memref<!tpu.dma_semaphore, #tpu.memory_space<semaphore_mem>>
      %dma_start3A_62 = arith.constant 0 : i32
      %dma_start3A_63 = tpu.memref_slice %arg7[%arg0, %mul3A_2, %dma_start3A_62] : memref<2x16640x64xf32, #tpu.memory_space<hbm>> -> memref<1x1040x64xf32, #tpu.memory_space<hbm>>
      %dma_start3A_64 = tpu.memref_squeeze %dma_start3A_63 : memref<1x1040x64xf32, #tpu.memory_space<hbm>> -> memref<1040x64xf32, #tpu.memory_space<hbm>>
      %dma_start3A_65 = arith.constant 0 : i32
      %dma_start3A_66 = tpu.memref_slice %arg9[%mul3A_2, %dma_start3A_65] : memref<16640x64xf32, #tpu.memory_space<vmem_shared>> -> memref<1040x64xf32, #tpu.memory_space<vmem_shared>>
      tpu.enqueue_dma source(%dma_start3A_66 : memref<1040x64xf32, #tpu.memory_space<vmem_shared>>) target(%dma_start3A_64 : memref<1040x64xf32, #tpu.memory_space<hbm>>) target_semaphore(%run_scoped3A : memref<!tpu.dma_semaphore, #tpu.memory_space<semaphore_mem>>)
      %dma_wait3A = arith.constant 0 : i32
      %dma_wait3A_67 = tpu.memref_slice %arg7[%arg0, %mul3A_2, %dma_wait3A] : memref<2x16640x64xf32, #tpu.memory_space<hbm>> -> memref<1x1040x64xf32, #tpu.memory_space<hbm>>
      %dma_wait3A_68 = tpu.memref_squeeze %dma_wait3A_67 : memref<1x1040x64xf32, #tpu.memory_space<hbm>> -> memref<1040x64xf32, #tpu.memory_space<hbm>>
      %dma_wait3A_69 = arith.constant 0 : i32
      %dma_wait3A_70 = tpu.memref_slice %arg9[%mul3A_2, %dma_wait3A_69] : memref<16640x64xf32, #tpu.memory_space<vmem_shared>> -> memref<1040x64xf32, #tpu.memory_space<vmem_shared>>
      tpu.wait_dma2 semaphore(%run_scoped3A : memref<!tpu.dma_semaphore, #tpu.memory_space<semaphore_mem>>) src(%dma_wait3A_70 : memref<1040x64xf32, #tpu.memory_space<vmem_shared>>) dst(%dma_wait3A_68 : memref<1040x64xf32, #tpu.memory_space<hbm>>)
      tpu.yield
    }) : () -> ()
    "tpu.region"() ({
      %run_scoped3A = tpu.sem_alloc : memref<!tpu.dma_semaphore, #tpu.memory_space<semaphore_mem>>
      %dma_start3A_62 = arith.constant 0 : i32
      %dma_start3A_63 = tpu.memref_slice %arg8[%arg0, %mul3A_2, %dma_start3A_62] : memref<2x16640x16xf32, #tpu.memory_space<hbm>> -> memref<1x1040x16xf32, #tpu.memory_space<hbm>>
      %dma_start3A_64 = tpu.memref_squeeze %dma_start3A_63 : memref<1x1040x16xf32, #tpu.memory_space<hbm>> -> memref<1040x16xf32, #tpu.memory_space<hbm>>
      %dma_start3A_65 = arith.constant 0 : i32
      %dma_start3A_66 = tpu.memref_slice %arg10[%mul3A_2, %dma_start3A_65] : memref<16640x16xf32, #tpu.memory_space<vmem_shared>> -> memref<1040x16xf32, #tpu.memory_space<vmem_shared>>
      tpu.enqueue_dma source(%dma_start3A_66 : memref<1040x16xf32, #tpu.memory_space<vmem_shared>>) target(%dma_start3A_64 : memref<1040x16xf32, #tpu.memory_space<hbm>>) target_semaphore(%run_scoped3A : memref<!tpu.dma_semaphore, #tpu.memory_space<semaphore_mem>>)
      %dma_wait3A = arith.constant 0 : i32
      %dma_wait3A_67 = tpu.memref_slice %arg8[%arg0, %mul3A_2, %dma_wait3A] : memref<2x16640x16xf32, #tpu.memory_space<hbm>> -> memref<1x1040x16xf32, #tpu.memory_space<hbm>>
      %dma_wait3A_68 = tpu.memref_squeeze %dma_wait3A_67 : memref<1x1040x16xf32, #tpu.memory_space<hbm>> -> memref<1040x16xf32, #tpu.memory_space<hbm>>
      %dma_wait3A_69 = arith.constant 0 : i32
      %dma_wait3A_70 = tpu.memref_slice %arg10[%mul3A_2, %dma_wait3A_69] : memref<16640x16xf32, #tpu.memory_space<vmem_shared>> -> memref<1040x16xf32, #tpu.memory_space<vmem_shared>>
      tpu.wait_dma2 semaphore(%run_scoped3A : memref<!tpu.dma_semaphore, #tpu.memory_space<semaphore_mem>>) src(%dma_wait3A_70 : memref<1040x16xf32, #tpu.memory_space<vmem_shared>>) dst(%dma_wait3A_68 : memref<1040x16xf32, #tpu.memory_space<hbm>>)
      tpu.yield
    }) : () -> ()
    return
  }
}

#map = affine_map<(d0, d1) -> (0, 0, 0)>
#map1 = affine_map<(d0, d1) -> (0, 0)>
module attributes {stable_mosaic.version = 14 : i64} {
  func.func @_combine(%arg0: i32, %arg1: i32, %arg2: memref<2x16640x64xf32, #tpu.memory_space<hbm>>, %arg3: memref<2x16640x16xf32, #tpu.memory_space<hbm>>, %arg4: memref<16640x64xf32, #tpu.memory_space<hbm>>, %arg5: memref<520x64xf32, #tpu.memory_space<vmem>>, %arg6: memref<520x64xf32, #tpu.memory_space<vmem>>, %arg7: memref<520x16xf32, #tpu.memory_space<vmem>>, %arg8: memref<520x16xf32, #tpu.memory_space<vmem>>) attributes {dimension_semantics = [#tpu.dimension_semantics<core_parallel>, #tpu.dimension_semantics<subcore_parallel>], iteration_bounds = array<i64: 2, 16>, scalar_prefetch = 0 : i64, scratch_operands = 4 : i64, tpu.core_type = #tpu.core_type<sc_vector_subcore>, window_params = [{transform_indices = #map}, {transform_indices = #map}, {transform_indices = #map1}]} {
    %mul3A = arith.constant 2 : i32
    %mul3A_0 = arith.muli %arg1, %mul3A : i32
    %add3A = arith.addi %mul3A_0, %arg0 : i32
    %mul3A_1 = arith.constant 520 : i32
    %mul3A_2 = arith.muli %add3A, %mul3A_1 : i32
    %run_scoped3A = arith.constant 0 : i32
    "tpu.region"() ({
      %run_scoped3A_10 = tpu.sem_alloc : memref<!tpu.dma_semaphore, #tpu.memory_space<semaphore_mem>>
      %dma_start3A = arith.constant 0 : i32
      %dma_start3A_11 = tpu.memref_slice %arg2[%run_scoped3A, %mul3A_2, %dma_start3A] : memref<2x16640x64xf32, #tpu.memory_space<hbm>> -> memref<1x520x64xf32, #tpu.memory_space<hbm>>
      %dma_start3A_12 = tpu.memref_squeeze %dma_start3A_11 : memref<1x520x64xf32, #tpu.memory_space<hbm>> -> memref<520x64xf32, #tpu.memory_space<hbm>>
      %dma_start3A_13 = arith.constant 0 : i32
      %dma_start3A_14 = tpu.memref_slice %arg2[%run_scoped3A, %mul3A_2, %dma_start3A_13] : memref<2x16640x64xf32, #tpu.memory_space<hbm>> -> memref<1x520x64xf32, #tpu.memory_space<hbm>>
      %dma_start3A_15 = tpu.memref_squeeze %dma_start3A_14 : memref<1x520x64xf32, #tpu.memory_space<hbm>> -> memref<520x64xf32, #tpu.memory_space<hbm>>
      tpu.enqueue_dma source(%dma_start3A_15 : memref<520x64xf32, #tpu.memory_space<hbm>>) target(%arg5 : memref<520x64xf32, #tpu.memory_space<vmem>>) target_semaphore(%run_scoped3A_10 : memref<!tpu.dma_semaphore, #tpu.memory_space<semaphore_mem>>)
      %dma_wait3A = arith.constant 0 : i32
      %dma_wait3A_16 = tpu.memref_slice %arg2[%run_scoped3A, %mul3A_2, %dma_wait3A] : memref<2x16640x64xf32, #tpu.memory_space<hbm>> -> memref<1x520x64xf32, #tpu.memory_space<hbm>>
      %dma_wait3A_17 = tpu.memref_squeeze %dma_wait3A_16 : memref<1x520x64xf32, #tpu.memory_space<hbm>> -> memref<520x64xf32, #tpu.memory_space<hbm>>
      %dma_wait3A_18 = arith.constant 0 : i32
      %dma_wait3A_19 = tpu.memref_slice %arg2[%run_scoped3A, %mul3A_2, %dma_wait3A_18] : memref<2x16640x64xf32, #tpu.memory_space<hbm>> -> memref<1x520x64xf32, #tpu.memory_space<hbm>>
      %dma_wait3A_20 = tpu.memref_squeeze %dma_wait3A_19 : memref<1x520x64xf32, #tpu.memory_space<hbm>> -> memref<520x64xf32, #tpu.memory_space<hbm>>
      tpu.wait_dma2 semaphore(%run_scoped3A_10 : memref<!tpu.dma_semaphore, #tpu.memory_space<semaphore_mem>>) src(%dma_wait3A_20 : memref<520x64xf32, #tpu.memory_space<hbm>>) dst(%arg5 : memref<520x64xf32, #tpu.memory_space<vmem>>)
      tpu.yield
    }) : () -> ()
    %run_scoped3A_3 = arith.constant 1 : i32
    "tpu.region"() ({
      %run_scoped3A_10 = tpu.sem_alloc : memref<!tpu.dma_semaphore, #tpu.memory_space<semaphore_mem>>
      %dma_start3A = arith.constant 0 : i32
      %dma_start3A_11 = tpu.memref_slice %arg2[%run_scoped3A_3, %mul3A_2, %dma_start3A] : memref<2x16640x64xf32, #tpu.memory_space<hbm>> -> memref<1x520x64xf32, #tpu.memory_space<hbm>>
      %dma_start3A_12 = tpu.memref_squeeze %dma_start3A_11 : memref<1x520x64xf32, #tpu.memory_space<hbm>> -> memref<520x64xf32, #tpu.memory_space<hbm>>
      %dma_start3A_13 = arith.constant 0 : i32
      %dma_start3A_14 = tpu.memref_slice %arg2[%run_scoped3A_3, %mul3A_2, %dma_start3A_13] : memref<2x16640x64xf32, #tpu.memory_space<hbm>> -> memref<1x520x64xf32, #tpu.memory_space<hbm>>
      %dma_start3A_15 = tpu.memref_squeeze %dma_start3A_14 : memref<1x520x64xf32, #tpu.memory_space<hbm>> -> memref<520x64xf32, #tpu.memory_space<hbm>>
      tpu.enqueue_dma source(%dma_start3A_15 : memref<520x64xf32, #tpu.memory_space<hbm>>) target(%arg6 : memref<520x64xf32, #tpu.memory_space<vmem>>) target_semaphore(%run_scoped3A_10 : memref<!tpu.dma_semaphore, #tpu.memory_space<semaphore_mem>>)
      %dma_wait3A = arith.constant 0 : i32
      %dma_wait3A_16 = tpu.memref_slice %arg2[%run_scoped3A_3, %mul3A_2, %dma_wait3A] : memref<2x16640x64xf32, #tpu.memory_space<hbm>> -> memref<1x520x64xf32, #tpu.memory_space<hbm>>
      %dma_wait3A_17 = tpu.memref_squeeze %dma_wait3A_16 : memref<1x520x64xf32, #tpu.memory_space<hbm>> -> memref<520x64xf32, #tpu.memory_space<hbm>>
      %dma_wait3A_18 = arith.constant 0 : i32
      %dma_wait3A_19 = tpu.memref_slice %arg2[%run_scoped3A_3, %mul3A_2, %dma_wait3A_18] : memref<2x16640x64xf32, #tpu.memory_space<hbm>> -> memref<1x520x64xf32, #tpu.memory_space<hbm>>
      %dma_wait3A_20 = tpu.memref_squeeze %dma_wait3A_19 : memref<1x520x64xf32, #tpu.memory_space<hbm>> -> memref<520x64xf32, #tpu.memory_space<hbm>>
      tpu.wait_dma2 semaphore(%run_scoped3A_10 : memref<!tpu.dma_semaphore, #tpu.memory_space<semaphore_mem>>) src(%dma_wait3A_20 : memref<520x64xf32, #tpu.memory_space<hbm>>) dst(%arg6 : memref<520x64xf32, #tpu.memory_space<vmem>>)
      tpu.yield
    }) : () -> ()
    %run_scoped3A_4 = arith.constant 0 : i32
    "tpu.region"() ({
      %run_scoped3A_10 = tpu.sem_alloc : memref<!tpu.dma_semaphore, #tpu.memory_space<semaphore_mem>>
      %dma_start3A = arith.constant 0 : i32
      %dma_start3A_11 = tpu.memref_slice %arg3[%run_scoped3A_4, %mul3A_2, %dma_start3A] : memref<2x16640x16xf32, #tpu.memory_space<hbm>> -> memref<1x520x16xf32, #tpu.memory_space<hbm>>
      %dma_start3A_12 = tpu.memref_squeeze %dma_start3A_11 : memref<1x520x16xf32, #tpu.memory_space<hbm>> -> memref<520x16xf32, #tpu.memory_space<hbm>>
      %dma_start3A_13 = arith.constant 0 : i32
      %dma_start3A_14 = tpu.memref_slice %arg3[%run_scoped3A_4, %mul3A_2, %dma_start3A_13] : memref<2x16640x16xf32, #tpu.memory_space<hbm>> -> memref<1x520x16xf32, #tpu.memory_space<hbm>>
      %dma_start3A_15 = tpu.memref_squeeze %dma_start3A_14 : memref<1x520x16xf32, #tpu.memory_space<hbm>> -> memref<520x16xf32, #tpu.memory_space<hbm>>
      tpu.enqueue_dma source(%dma_start3A_15 : memref<520x16xf32, #tpu.memory_space<hbm>>) target(%arg7 : memref<520x16xf32, #tpu.memory_space<vmem>>) target_semaphore(%run_scoped3A_10 : memref<!tpu.dma_semaphore, #tpu.memory_space<semaphore_mem>>)
      %dma_wait3A = arith.constant 0 : i32
      %dma_wait3A_16 = tpu.memref_slice %arg3[%run_scoped3A_4, %mul3A_2, %dma_wait3A] : memref<2x16640x16xf32, #tpu.memory_space<hbm>> -> memref<1x520x16xf32, #tpu.memory_space<hbm>>
      %dma_wait3A_17 = tpu.memref_squeeze %dma_wait3A_16 : memref<1x520x16xf32, #tpu.memory_space<hbm>> -> memref<520x16xf32, #tpu.memory_space<hbm>>
      %dma_wait3A_18 = arith.constant 0 : i32
      %dma_wait3A_19 = tpu.memref_slice %arg3[%run_scoped3A_4, %mul3A_2, %dma_wait3A_18] : memref<2x16640x16xf32, #tpu.memory_space<hbm>> -> memref<1x520x16xf32, #tpu.memory_space<hbm>>
      %dma_wait3A_20 = tpu.memref_squeeze %dma_wait3A_19 : memref<1x520x16xf32, #tpu.memory_space<hbm>> -> memref<520x16xf32, #tpu.memory_space<hbm>>
      tpu.wait_dma2 semaphore(%run_scoped3A_10 : memref<!tpu.dma_semaphore, #tpu.memory_space<semaphore_mem>>) src(%dma_wait3A_20 : memref<520x16xf32, #tpu.memory_space<hbm>>) dst(%arg7 : memref<520x16xf32, #tpu.memory_space<vmem>>)
      tpu.yield
    }) : () -> ()
    %run_scoped3A_5 = arith.constant 1 : i32
    "tpu.region"() ({
      %run_scoped3A_10 = tpu.sem_alloc : memref<!tpu.dma_semaphore, #tpu.memory_space<semaphore_mem>>
      %dma_start3A = arith.constant 0 : i32
      %dma_start3A_11 = tpu.memref_slice %arg3[%run_scoped3A_5, %mul3A_2, %dma_start3A] : memref<2x16640x16xf32, #tpu.memory_space<hbm>> -> memref<1x520x16xf32, #tpu.memory_space<hbm>>
      %dma_start3A_12 = tpu.memref_squeeze %dma_start3A_11 : memref<1x520x16xf32, #tpu.memory_space<hbm>> -> memref<520x16xf32, #tpu.memory_space<hbm>>
      %dma_start3A_13 = arith.constant 0 : i32
      %dma_start3A_14 = tpu.memref_slice %arg3[%run_scoped3A_5, %mul3A_2, %dma_start3A_13] : memref<2x16640x16xf32, #tpu.memory_space<hbm>> -> memref<1x520x16xf32, #tpu.memory_space<hbm>>
      %dma_start3A_15 = tpu.memref_squeeze %dma_start3A_14 : memref<1x520x16xf32, #tpu.memory_space<hbm>> -> memref<520x16xf32, #tpu.memory_space<hbm>>
      tpu.enqueue_dma source(%dma_start3A_15 : memref<520x16xf32, #tpu.memory_space<hbm>>) target(%arg8 : memref<520x16xf32, #tpu.memory_space<vmem>>) target_semaphore(%run_scoped3A_10 : memref<!tpu.dma_semaphore, #tpu.memory_space<semaphore_mem>>)
      %dma_wait3A = arith.constant 0 : i32
      %dma_wait3A_16 = tpu.memref_slice %arg3[%run_scoped3A_5, %mul3A_2, %dma_wait3A] : memref<2x16640x16xf32, #tpu.memory_space<hbm>> -> memref<1x520x16xf32, #tpu.memory_space<hbm>>
      %dma_wait3A_17 = tpu.memref_squeeze %dma_wait3A_16 : memref<1x520x16xf32, #tpu.memory_space<hbm>> -> memref<520x16xf32, #tpu.memory_space<hbm>>
      %dma_wait3A_18 = arith.constant 0 : i32
      %dma_wait3A_19 = tpu.memref_slice %arg3[%run_scoped3A_5, %mul3A_2, %dma_wait3A_18] : memref<2x16640x16xf32, #tpu.memory_space<hbm>> -> memref<1x520x16xf32, #tpu.memory_space<hbm>>
      %dma_wait3A_20 = tpu.memref_squeeze %dma_wait3A_19 : memref<1x520x16xf32, #tpu.memory_space<hbm>> -> memref<520x16xf32, #tpu.memory_space<hbm>>
      tpu.wait_dma2 semaphore(%run_scoped3A_10 : memref<!tpu.dma_semaphore, #tpu.memory_space<semaphore_mem>>) src(%dma_wait3A_20 : memref<520x16xf32, #tpu.memory_space<hbm>>) dst(%arg8 : memref<520x16xf32, #tpu.memory_space<vmem>>)
      tpu.yield
    }) : () -> ()
    %scan3A = arith.constant 0 : i32
    %scan3A_6 = arith.constant 520 : i32
    %scan3A_7 = arith.addi %scan3A, %scan3A_6 : i32
    %scan3A_8 = arith.constant 1 : i32
    scf.for %scan3A_10 = %scan3A to %scan3A_7 step %scan3A_8  : i32 {
      %get3A = arith.index_cast %scan3A_10 : i32 to index
      %get3A_11 = arith.constant 0 : index
      %get3A_12 = tpu.vector_load %arg7[%get3A, %get3A_11] {strides = array<i32>} : memref<520x16xf32, #tpu.memory_space<vmem>>, vector<1x16xf32>,
      %get3A_13 = vector.shape_cast %get3A_12 : vector<1x16xf32> to vector<16xf32>
      %get3A_14 = arith.index_cast %scan3A_10 : i32 to index
      %get3A_15 = arith.constant 0 : index
      %get3A_16 = tpu.vector_load %arg8[%get3A_14, %get3A_15] {strides = array<i32>} : memref<520x16xf32, #tpu.memory_space<vmem>>, vector<1x16xf32>,
      %get3A_17 = vector.shape_cast %get3A_16 : vector<1x16xf32> to vector<16xf32>
      %add3A_18 = arith.addf %get3A_13, %get3A_17 : vector<16xf32>
      %div3A = arith.constant 1.000000e+00 : f32
      %div3A_19 = vector.broadcast %div3A : f32 to vector<16xf32>
      %div3A_20 = arith.divf %div3A_19, %add3A_18 : vector<16xf32>
      %get3A_21 = arith.index_cast %scan3A_10 : i32 to index
      %get3A_22 = arith.constant 0 : index
      %get3A_23 = tpu.vector_load %arg5[%get3A_21, %get3A_22] {strides = array<i32>} : memref<520x64xf32, #tpu.memory_space<vmem>>, vector<1x16xf32>,
      %get3A_24 = vector.shape_cast %get3A_23 : vector<1x16xf32> to vector<16xf32>
      %get3A_25 = arith.index_cast %scan3A_10 : i32 to index
      %get3A_26 = arith.constant 0 : index
      %get3A_27 = tpu.vector_load %arg6[%get3A_25, %get3A_26] {strides = array<i32>} : memref<520x64xf32, #tpu.memory_space<vmem>>, vector<1x16xf32>,
      %get3A_28 = vector.shape_cast %get3A_27 : vector<1x16xf32> to vector<16xf32>
      %add3A_29 = arith.addf %get3A_24, %get3A_28 : vector<16xf32>
      %mul3A_30 = arith.mulf %add3A_29, %div3A_20 : vector<16xf32>
      %swap3A = arith.index_cast %scan3A_10 : i32 to index
      %swap3A_31 = arith.constant 0 : index
      %swap3A_32 = tpu.vector_load %arg5[%swap3A, %swap3A_31] {strides = array<i32>} : memref<520x64xf32, #tpu.memory_space<vmem>>, vector<1x16xf32>,
      %swap3A_33 = vector.shape_cast %swap3A_32 : vector<1x16xf32> to vector<16xf32>
      %swap3A_34 = vector.shape_cast %mul3A_30 : vector<16xf32> to vector<1x16xf32>
      tpu.vector_store %arg5[%swap3A, %swap3A_31], %swap3A_34 {strides = array<i32>} : memref<520x64xf32, #tpu.memory_space<vmem>>, vector<1x16xf32>,
      %get3A_35 = arith.index_cast %scan3A_10 : i32 to index
      %get3A_36 = arith.constant 16 : index
      %get3A_37 = tpu.vector_load %arg5[%get3A_35, %get3A_36] {strides = array<i32>} : memref<520x64xf32, #tpu.memory_space<vmem>>, vector<1x16xf32>,
      %get3A_38 = vector.shape_cast %get3A_37 : vector<1x16xf32> to vector<16xf32>
      %get3A_39 = arith.index_cast %scan3A_10 : i32 to index
      %get3A_40 = arith.constant 16 : index
      %get3A_41 = tpu.vector_load %arg6[%get3A_39, %get3A_40] {strides = array<i32>} : memref<520x64xf32, #tpu.memory_space<vmem>>, vector<1x16xf32>,
      %get3A_42 = vector.shape_cast %get3A_41 : vector<1x16xf32> to vector<16xf32>
      %add3A_43 = arith.addf %get3A_38, %get3A_42 : vector<16xf32>
      %mul3A_44 = arith.mulf %add3A_43, %div3A_20 : vector<16xf32>
      %swap3A_45 = arith.index_cast %scan3A_10 : i32 to index
      %swap3A_46 = arith.constant 16 : index
      %swap3A_47 = tpu.vector_load %arg5[%swap3A_45, %swap3A_46] {strides = array<i32>} : memref<520x64xf32, #tpu.memory_space<vmem>>, vector<1x16xf32>,
      %swap3A_48 = vector.shape_cast %swap3A_47 : vector<1x16xf32> to vector<16xf32>
      %swap3A_49 = vector.shape_cast %mul3A_44 : vector<16xf32> to vector<1x16xf32>
      tpu.vector_store %arg5[%swap3A_45, %swap3A_46], %swap3A_49 {strides = array<i32>} : memref<520x64xf32, #tpu.memory_space<vmem>>, vector<1x16xf32>,
      %get3A_50 = arith.index_cast %scan3A_10 : i32 to index
      %get3A_51 = arith.constant 32 : index
      %get3A_52 = tpu.vector_load %arg5[%get3A_50, %get3A_51] {strides = array<i32>} : memref<520x64xf32, #tpu.memory_space<vmem>>, vector<1x16xf32>,
      %get3A_53 = vector.shape_cast %get3A_52 : vector<1x16xf32> to vector<16xf32>
      %get3A_54 = arith.index_cast %scan3A_10 : i32 to index
      %get3A_55 = arith.constant 32 : index
      %get3A_56 = tpu.vector_load %arg6[%get3A_54, %get3A_55] {strides = array<i32>} : memref<520x64xf32, #tpu.memory_space<vmem>>, vector<1x16xf32>,
      %get3A_57 = vector.shape_cast %get3A_56 : vector<1x16xf32> to vector<16xf32>
      %add3A_58 = arith.addf %get3A_53, %get3A_57 : vector<16xf32>
      %mul3A_59 = arith.mulf %add3A_58, %div3A_20 : vector<16xf32>
      %swap3A_60 = arith.index_cast %scan3A_10 : i32 to index
      %swap3A_61 = arith.constant 32 : index
      %swap3A_62 = tpu.vector_load %arg5[%swap3A_60, %swap3A_61] {strides = array<i32>} : memref<520x64xf32, #tpu.memory_space<vmem>>, vector<1x16xf32>,
      %swap3A_63 = vector.shape_cast %swap3A_62 : vector<1x16xf32> to vector<16xf32>
      %swap3A_64 = vector.shape_cast %mul3A_59 : vector<16xf32> to vector<1x16xf32>
      tpu.vector_store %arg5[%swap3A_60, %swap3A_61], %swap3A_64 {strides = array<i32>} : memref<520x64xf32, #tpu.memory_space<vmem>>, vector<1x16xf32>,
      %get3A_65 = arith.index_cast %scan3A_10 : i32 to index
      %get3A_66 = arith.constant 48 : index
      %get3A_67 = tpu.vector_load %arg5[%get3A_65, %get3A_66] {strides = array<i32>} : memref<520x64xf32, #tpu.memory_space<vmem>>, vector<1x16xf32>,
      %get3A_68 = vector.shape_cast %get3A_67 : vector<1x16xf32> to vector<16xf32>
      %get3A_69 = arith.index_cast %scan3A_10 : i32 to index
      %get3A_70 = arith.constant 48 : index
      %get3A_71 = tpu.vector_load %arg6[%get3A_69, %get3A_70] {strides = array<i32>} : memref<520x64xf32, #tpu.memory_space<vmem>>, vector<1x16xf32>,
      %get3A_72 = vector.shape_cast %get3A_71 : vector<1x16xf32> to vector<16xf32>
      %add3A_73 = arith.addf %get3A_68, %get3A_72 : vector<16xf32>
      %mul3A_74 = arith.mulf %add3A_73, %div3A_20 : vector<16xf32>
      %swap3A_75 = arith.index_cast %scan3A_10 : i32 to index
      %swap3A_76 = arith.constant 48 : index
      %swap3A_77 = tpu.vector_load %arg5[%swap3A_75, %swap3A_76] {strides = array<i32>} : memref<520x64xf32, #tpu.memory_space<vmem>>, vector<1x16xf32>,
      %swap3A_78 = vector.shape_cast %swap3A_77 : vector<1x16xf32> to vector<16xf32>
      %swap3A_79 = vector.shape_cast %mul3A_74 : vector<16xf32> to vector<1x16xf32>
      tpu.vector_store %arg5[%swap3A_75, %swap3A_76], %swap3A_79 {strides = array<i32>} : memref<520x64xf32, #tpu.memory_space<vmem>>, vector<1x16xf32>,
    }
    %scan3A_9 = arith.constant 520 : i32
    "tpu.region"() ({
      %run_scoped3A_10 = tpu.sem_alloc : memref<!tpu.dma_semaphore, #tpu.memory_space<semaphore_mem>>
      %dma_start3A = arith.constant 0 : i32
      %dma_start3A_11 = tpu.memref_slice %arg4[%mul3A_2, %dma_start3A] : memref<16640x64xf32, #tpu.memory_space<hbm>> -> memref<520x64xf32, #tpu.memory_space<hbm>>
      %dma_start3A_12 = arith.constant 0 : i32
      %dma_start3A_13 = tpu.memref_slice %arg4[%mul3A_2, %dma_start3A_12] : memref<16640x64xf32, #tpu.memory_space<hbm>> -> memref<520x64xf32, #tpu.memory_space<hbm>>
      tpu.enqueue_dma source(%arg5 : memref<520x64xf32, #tpu.memory_space<vmem>>) target(%dma_start3A_13 : memref<520x64xf32, #tpu.memory_space<hbm>>) target_semaphore(%run_scoped3A_10 : memref<!tpu.dma_semaphore, #tpu.memory_space<semaphore_mem>>)
      %dma_wait3A = arith.constant 0 : i32
      %dma_wait3A_14 = tpu.memref_slice %arg4[%mul3A_2, %dma_wait3A] : memref<16640x64xf32, #tpu.memory_space<hbm>> -> memref<520x64xf32, #tpu.memory_space<hbm>>
      %dma_wait3A_15 = arith.constant 0 : i32
      %dma_wait3A_16 = tpu.memref_slice %arg4[%mul3A_2, %dma_wait3A_15] : memref<16640x64xf32, #tpu.memory_space<hbm>> -> memref<520x64xf32, #tpu.memory_space<hbm>>
      tpu.wait_dma2 semaphore(%run_scoped3A_10 : memref<!tpu.dma_semaphore, #tpu.memory_space<semaphore_mem>>) src(%arg5 : memref<520x64xf32, #tpu.memory_space<vmem>>) dst(%dma_wait3A_16 : memref<520x64xf32, #tpu.memory_space<hbm>>)
      tpu.yield
    }) : () -> ()
    return
  }
}

#map = affine_map<(d0, d1) -> (0)>
#map1 = affine_map<(d0, d1) -> (0, 0)>
module attributes {stable_mosaic.version = 14 : i64} {
  func.func @_gather(%arg0: i32, %arg1: i32, %arg2: memref<268800xi32, #tpu.memory_space<hbm>>, %arg3: memref<16640x64xf32, #tpu.memory_space<hbm>>, %arg4: memref<268435x64xf32, #tpu.memory_space<hbm>>, %arg5: memref<400xi32, #tpu.memory_space<vmem>>, %arg6: memref<400x64xf32, #tpu.memory_space<vmem>>, %arg7: memref<!tpu.dma_semaphore, #tpu.memory_space<semaphore_mem>>) attributes {dimension_semantics = [#tpu.dimension_semantics<core_parallel>, #tpu.dimension_semantics<subcore_parallel>], iteration_bounds = array<i64: 2, 16>, scalar_prefetch = 0 : i64, scratch_operands = 3 : i64, tpu.core_type = #tpu.core_type<sc_vector_subcore>, window_params = [{transform_indices = #map}, {transform_indices = #map1}, {transform_indices = #map1}]} {
    %mul3A = arith.constant 2 : i32
    %mul3A_0 = arith.muli %arg1, %mul3A : i32
    %add3A = arith.addi %mul3A_0, %arg0 : i32
    %scan3A = arith.constant 0 : i32
    %scan3A_1 = arith.constant 21 : i32
    %scan3A_2 = arith.addi %scan3A, %scan3A_1 : i32
    %scan3A_3 = arith.constant 1 : i32
    scf.for %scan3A_5 = %scan3A to %scan3A_2 step %scan3A_3  : i32 {
      %mul3A_6 = arith.constant 8400 : i32
      %mul3A_7 = arith.muli %add3A, %mul3A_6 : i32
      %mul3A_8 = arith.constant 400 : i32
      %mul3A_9 = arith.muli %scan3A_5, %mul3A_8 : i32
      %add3A_10 = arith.addi %mul3A_7, %mul3A_9 : i32
      "tpu.region"() ({
        %run_scoped3A = tpu.sem_alloc : memref<!tpu.dma_semaphore, #tpu.memory_space<semaphore_mem>>
        %dma_start3A_23 = tpu.memref_slice %arg2[%add3A_10] : memref<268800xi32, #tpu.memory_space<hbm>> -> memref<400xi32, #tpu.memory_space<hbm>>
        %dma_start3A_24 = tpu.memref_slice %arg2[%add3A_10] : memref<268800xi32, #tpu.memory_space<hbm>> -> memref<400xi32, #tpu.memory_space<hbm>>
        tpu.enqueue_dma source(%dma_start3A_24 : memref<400xi32, #tpu.memory_space<hbm>>) target(%arg5 : memref<400xi32, #tpu.memory_space<vmem>>) target_semaphore(%run_scoped3A : memref<!tpu.dma_semaphore, #tpu.memory_space<semaphore_mem>>)
        %dma_wait3A_25 = tpu.memref_slice %arg2[%add3A_10] : memref<268800xi32, #tpu.memory_space<hbm>> -> memref<400xi32, #tpu.memory_space<hbm>>
        %dma_wait3A_26 = tpu.memref_slice %arg2[%add3A_10] : memref<268800xi32, #tpu.memory_space<hbm>> -> memref<400xi32, #tpu.memory_space<hbm>>
        tpu.wait_dma2 semaphore(%run_scoped3A : memref<!tpu.dma_semaphore, #tpu.memory_space<semaphore_mem>>) src(%dma_wait3A_26 : memref<400xi32, #tpu.memory_space<hbm>>) dst(%arg5 : memref<400xi32, #tpu.memory_space<vmem>>)
        tpu.yield
      }) : () -> ()
      %dma_start3A = arith.constant 0 : i32
      %dma_start3A_11 = arith.constant 0 : i32
      %dma_start3A_12 = tpu.memref_slice %arg3[%dma_start3A, %dma_start3A_11] : memref<16640x64xf32, #tpu.memory_space<hbm>> -> memref<16640x64xf32, #tpu.memory_space<hbm>>
      tpu.enqueue_indirect_dma source(%dma_start3A_12 : memref<16640x64xf32, #tpu.memory_space<hbm>>) target(%arg6 : memref<400x64xf32, #tpu.memory_space<vmem>>) offsets(%arg5 : memref<400xi32, #tpu.memory_space<vmem>>) semaphore(%arg7 : memref<!tpu.dma_semaphore, #tpu.memory_space<semaphore_mem>>)
      %dma_wait3A = arith.constant 0 : i32
      %dma_wait3A_13 = arith.constant 0 : i32
      %dma_wait3A_14 = tpu.memref_slice %arg3[%dma_wait3A, %dma_wait3A_13] : memref<16640x64xf32, #tpu.memory_space<hbm>> -> memref<16640x64xf32, #tpu.memory_space<hbm>>
      tpu.wait_indirect_dma semaphore(%arg7 : memref<!tpu.dma_semaphore, #tpu.memory_space<semaphore_mem>>) src(%dma_wait3A_14 : memref<16640x64xf32, #tpu.memory_space<hbm>>) dst(%arg6 : memref<400x64xf32, #tpu.memory_space<vmem>>)
      %eq3A = arith.constant 31 : i32
      %eq3A_15 = arith.cmpi eq, %add3A, %eq3A : i32
      %eq3A_16 = arith.constant 20 : i32
      %eq3A_17 = arith.cmpi eq, %scan3A_5, %eq3A_16 : i32
      %and3A = arith.andi %eq3A_15, %eq3A_17 : i1
      %not3A = arith.constant true
      %not3A_18 = arith.xori %and3A, %not3A : i1
      %convert_element_type3A = arith.extui %not3A_18 : i1 to i32
      %cond3A = arith.constant 0 : i32
      %cond3A_19 = arith.cmpi ne, %convert_element_type3A, %cond3A : i32
      scf.if %cond3A_19 {
        "tpu.region"() ({
          %run_scoped3A = tpu.sem_alloc : memref<!tpu.dma_semaphore, #tpu.memory_space<semaphore_mem>>
          %dma_start3A_23 = arith.constant 0 : i32
          %dma_start3A_24 = tpu.memref_slice %arg4[%add3A_10, %dma_start3A_23] : memref<268435x64xf32, #tpu.memory_space<hbm>> -> memref<400x64xf32, #tpu.memory_space<hbm>>
          %dma_start3A_25 = arith.constant 0 : i32
          %dma_start3A_26 = tpu.memref_slice %arg4[%add3A_10, %dma_start3A_25] : memref<268435x64xf32, #tpu.memory_space<hbm>> -> memref<400x64xf32, #tpu.memory_space<hbm>>
          tpu.enqueue_dma source(%arg6 : memref<400x64xf32, #tpu.memory_space<vmem>>) target(%dma_start3A_26 : memref<400x64xf32, #tpu.memory_space<hbm>>) target_semaphore(%run_scoped3A : memref<!tpu.dma_semaphore, #tpu.memory_space<semaphore_mem>>)
          %dma_wait3A_27 = arith.constant 0 : i32
          %dma_wait3A_28 = tpu.memref_slice %arg4[%add3A_10, %dma_wait3A_27] : memref<268435x64xf32, #tpu.memory_space<hbm>> -> memref<400x64xf32, #tpu.memory_space<hbm>>
          %dma_wait3A_29 = arith.constant 0 : i32
          %dma_wait3A_30 = tpu.memref_slice %arg4[%add3A_10, %dma_wait3A_29] : memref<268435x64xf32, #tpu.memory_space<hbm>> -> memref<400x64xf32, #tpu.memory_space<hbm>>
          tpu.wait_dma2 semaphore(%run_scoped3A : memref<!tpu.dma_semaphore, #tpu.memory_space<semaphore_mem>>) src(%arg6 : memref<400x64xf32, #tpu.memory_space<vmem>>) dst(%dma_wait3A_30 : memref<400x64xf32, #tpu.memory_space<hbm>>)
          tpu.yield
        }) : () -> ()
      } else {
      }
      %convert_element_type3A_20 = arith.extui %and3A : i1 to i32
      %cond3A_21 = arith.constant 0 : i32
      %cond3A_22 = arith.cmpi ne, %convert_element_type3A_20, %cond3A_21 : i32
      scf.if %cond3A_22 {
        "tpu.region"() ({
          %run_scoped3A = tpu.sem_alloc : memref<!tpu.dma_semaphore, #tpu.memory_space<semaphore_mem>>
          %dma_start3A_23 = arith.constant 0 : i32
          %dma_start3A_24 = arith.constant 0 : i32
          %dma_start3A_25 = tpu.memref_slice %arg6[%dma_start3A_23, %dma_start3A_24] : memref<400x64xf32, #tpu.memory_space<vmem>> -> memref<35x64xf32, #tpu.memory_space<vmem>>
          %dma_start3A_26 = arith.constant 268400 : i32
          %dma_start3A_27 = arith.constant 0 : i32
          %dma_start3A_28 = tpu.memref_slice %arg4[%dma_start3A_26, %dma_start3A_27] : memref<268435x64xf32, #tpu.memory_space<hbm>> -> memref<35x64xf32, #tpu.memory_space<hbm>>
          %dma_start3A_29 = arith.constant 268400 : i32
          %dma_start3A_30 = arith.constant 0 : i32
          %dma_start3A_31 = tpu.memref_slice %arg4[%dma_start3A_29, %dma_start3A_30] : memref<268435x64xf32, #tpu.memory_space<hbm>> -> memref<35x64xf32, #tpu.memory_space<hbm>>
          %dma_start3A_32 = arith.constant 0 : i32
          %dma_start3A_33 = arith.constant 0 : i32
          %dma_start3A_34 = tpu.memref_slice %arg6[%dma_start3A_32, %dma_start3A_33] : memref<400x64xf32, #tpu.memory_space<vmem>> -> memref<35x64xf32, #tpu.memory_space<vmem>>
          tpu.enqueue_dma source(%dma_start3A_34 : memref<35x64xf32, #tpu.memory_space<vmem>>) target(%dma_start3A_31 : memref<35x64xf32, #tpu.memory_space<hbm>>) target_semaphore(%run_scoped3A : memref<!tpu.dma_semaphore, #tpu.memory_space<semaphore_mem>>)
          %dma_wait3A_35 = arith.constant 0 : i32
          %dma_wait3A_36 = arith.constant 0 : i32
          %dma_wait3A_37 = tpu.memref_slice %arg6[%dma_wait3A_35, %dma_wait3A_36] : memref<400x64xf32, #tpu.memory_space<vmem>> -> memref<35x64xf32, #tpu.memory_space<vmem>>
          %dma_wait3A_38 = arith.constant 268400 : i32
          %dma_wait3A_39 = arith.constant 0 : i32
          %dma_wait3A_40 = tpu.memref_slice %arg4[%dma_wait3A_38, %dma_wait3A_39] : memref<268435x64xf32, #tpu.memory_space<hbm>> -> memref<35x64xf32, #tpu.memory_space<hbm>>
          %dma_wait3A_41 = arith.constant 268400 : i32
          %dma_wait3A_42 = arith.constant 0 : i32
          %dma_wait3A_43 = tpu.memref_slice %arg4[%dma_wait3A_41, %dma_wait3A_42] : memref<268435x64xf32, #tpu.memory_space<hbm>> -> memref<35x64xf32, #tpu.memory_space<hbm>>
          %dma_wait3A_44 = arith.constant 0 : i32
          %dma_wait3A_45 = arith.constant 0 : i32
          %dma_wait3A_46 = tpu.memref_slice %arg6[%dma_wait3A_44, %dma_wait3A_45] : memref<400x64xf32, #tpu.memory_space<vmem>> -> memref<35x64xf32, #tpu.memory_space<vmem>>
          tpu.wait_dma2 semaphore(%run_scoped3A : memref<!tpu.dma_semaphore, #tpu.memory_space<semaphore_mem>>) src(%dma_wait3A_46 : memref<35x64xf32, #tpu.memory_space<vmem>>) dst(%dma_wait3A_43 : memref<35x64xf32, #tpu.memory_space<hbm>>)
          tpu.yield
        }) : () -> ()
      } else {
      }
    }
    %scan3A_4 = arith.constant 21 : i32
    return
  }
}

</mosaic_0001>

<sc_bundles>
// kernel: gather_offload_async_start
scs
__scs_entry_jumppad:
0x0: {  	(pc) =	sbr.rel $0x88, $3  }
0x1: {  	(tag) =	ssettag $0x0;
	lr =	simm.s32 $0x1  }
0x2: {  	[smem:$0x3F9F] =	sst lr;
	_ =	strace $0xD0000000  }
0x3: {  	_ = 	snop  }
0x4: {  	_ = 	snop  }
0x5: {  	_ = 	snop  }
0x6: {  	_ = 	snop  }
0x7: {  	_ = 	snop  }
__scs_overlays_trampoline_lowered:
0x8: {  	[smem:$0x3FAE] =	sst s0  }
0x9: {  	[smem:$0x3FAF] =	sst s1  }
0xa: {  	[smem:$0x3FB0] =	sst s2  }
0xb: {  	[smem:$0x3FB1] =	sst s3  }
0xc: {  	[smem:$0x3FB2] =	sst s4  }
0xd: {  	[smem:$0x3FB3] =	sst s5  }
0xe: {  	[smem:$0x3FB4] =	sst s6  }
0xf: {  	[smem:$0x3FB5] =	sst s7  }
0x10: {  	[smem:$0x3FB6] =	sst s8  }
0x11: {  	[smem:$0x3FB7] =	sst s9;
	s0 =	simm.s32 @!p0 $0x0  }
0x12: {  	s1 =	sld [smem:$0x3F9D];
	s0 =	simm.s32 @p0 $0x1  }
0x13: {  	[smem:$0x3FB8] =	sst s0;
	s0 =	simm.s32 @!p1 $0x0  }
0x14: {  	s2 =	sld [smem:$0x3F9C];
	s0 =	simm.s32 @p1 $0x1  }
0x15: {  	[smem:$0x3FB9] =	sst s0;
	s0 =	simm.s32 @!p2 $0x0  }
0x16: {  	s3 =	sld [smem:$0x3FDB];
	s0 =	simm.s32 @p2 $0x1  }
0x17: {  	s4 =	simm.s32 $0x1BF5;
	[smem:$0x3FBB] =	sst s0  }
0x18: {  	s0 =	sld [smem:$0x3F9E];
	_ =	swait.ge [sflag:s4], $0x0  }
0x19: {  	s7 =	sld [smem:$0x3F9F]  }
0x1a: {  	s8 =	sadd.s32 $0xFFFFE003, lr  }
0x1b: {  	s9 =	sadd.s32 $0xFFFFFEF7, lr;
	s5 =	simm.s32 $0xFFFFFFFF;
	p2 =	slt.u32 s8, $0xFFFFF086  }
0x1c: {  	p1 =	slt.u32 s9, $0xF7A;
	s5 =	simm.s32 @!p2 $0x0  }
0x1d: {  	s5 =	simm.s32 @p1 $0x1;
	p0 =	seq.s32 s7, s2  }
0x1e: {  	s7 =	smul.u32 @!p0 $0xF7A, s2;
	p2 =	seq.s32 @!p0 s5, $0x0  }
0x1f: {  	s9 =	smul.u32 $0xF7A, s1;
	s8 =	simm.s32 @!p0 $0x1BF5;
	p2 =	por !p2, p0  }
0x20: {  	[sflag:s8] =	ssyncset.s32 @!p0 $0xFFFFF086;
	s6 =	sadd.s32 @!p0 s3, s7;
	s7 =	simm.s32 @!p0 $0x108  }
0x21: {  	s3 =	sadd.s32 s3, s9;
	s6 =	sadd.s32 @!p0 $0x88, s6;
	s7 =	simm.s32 @p2 $0x1082  }
0x22: {  	[simem:s7], [sflag:s8] =	dma.local @!p0 [hbm:s6], $0xF7A  }
0x23: {  	s9 =	sor.u32 $0xD0000000, s2;
	s6 =	simm.s32 $0x108;
	_ =	swait.ge @!p0 [sflag:s8], $0x0  }
0x24: {  	s3 =	sadd.s32 $0x88, s3;
	s6 =	simm.s32 @!p1 $0x1082;
	[sflag:s4] =	ssyncset.s32 $0xFFFFF086  }
0x25: {  	[simem:s6], [sflag:s4] =	dma.local [hbm:s3], $0xF7A  }
0x26: {  	[smem:$0x3F9F] =	sst s1;
	(tag) =	ssettag s2;
	_ =	strace s9  }
0x27: {  	s1 =	sld [smem:$0x3FAF]  }
0x28: {  	s2 =	sld [smem:$0x3FB0]  }
0x29: {  	s4 =	sld [smem:$0x3FB2]  }
0x2a: {  	p0 =	seq.s32 s5, $0x0;
	s5 =	sld [smem:$0x3FB3]  }
0x2b: {  	s6 =	sld [smem:$0x3FB4]  }
0x2c: {  	s7 =	sld [smem:$0x3FB5]  }
0x2d: {  	s3 =	simm.s32 $0x108;
	s8 =	sld [smem:$0x3FB6]  }
0x2e: {  	s3 =	simm.s32 @!p0 $0x1082;
	s9 =	sld [smem:$0x3FB7]  }
0x2f: {  	lr =	sadd.s32 s0, s3;
	s0 =	sld [smem:$0x3FAE]  }
0x30: {  	s3 =	sld [smem:$0x3FB1]  }
0x31: {  	[smem:$0x3FBA] =	sst s10  }
0x32: {  	s10 =	sld [smem:$0x3FB8];
	_ =	sdelay $0x3  }
0x33: {  	p0 =	seq.s32 s10, $0x1;
	s10 =	sld [smem:$0x3FBA];
	_ =	sdelay $0x3  }
0x34: {  	[smem:$0x3FBA] =	sst s10  }
0x35: {  	s10 =	sld [smem:$0x3FB9];
	_ =	sdelay $0x3  }
0x36: {  	p1 =	seq.s32 s10, $0x1;
	s10 =	sld [smem:$0x3FBA];
	_ =	sdelay $0x3  }
0x37: {  	[smem:$0x3FBA] =	sst s10  }
0x38: {  	s10 =	sld [smem:$0x3FBB]  }
0x39: {  	_ = 	snop;
	(pc) =	sbr.ind lr, $3  }
0x3a: {  	_ = 	snop  }
0x3b: {  	_ = 	snop  }
0x3c: {  	p2 =	seq.s32 s10, $0x1;
	s10 =	sld [smem:$0x3FBA]  }
0x3d: {  	_ =	shalt  }
0x3e: {  	_ =	shalt  }
0x3f: {  	_ =	shalt  }
0x40: {  	_ =	shalt  }
0x41: {  	_ =	shalt  }
0x42: {  	_ =	shalt  }
0x43: {  	_ =	shalt  }
0x44: {  	_ =	shalt  }
0x45: {  	_ =	shalt  }
0x46: {  	_ =	shalt  }
0x47: {  	_ =	shalt  }
0x48: {  	_ =	shalt  }
0x49: {  	_ =	shalt  }
0x4a: {  	_ =	shalt  }
0x4b: {  	_ =	shalt  }
0x4c: {  	_ =	shalt  }
0x4d: {  	_ =	shalt  }
0x4e: {  	_ =	shalt  }
0x4f: {  	_ =	shalt  }
0x50: {  	_ =	shalt  }
0x51: {  	_ =	shalt  }
0x52: {  	_ =	shalt  }
0x53: {  	_ =	shalt  }
0x54: {  	_ =	shalt  }
0x55: {  	_ =	shalt  }
0x56: {  	_ =	shalt  }
0x57: {  	_ =	shalt  }
0x58: {  	_ =	shalt  }
0x59: {  	_ =	shalt  }
0x5a: {  	_ =	shalt  }
0x5b: {  	_ =	shalt  }
0x5c: {  	_ =	shalt  }
0x5d: {  	_ =	shalt  }
0x5e: {  	_ =	shalt  }
0x5f: {  	_ =	shalt  }
0x60: {  	_ =	shalt  }
0x61: {  	_ =	shalt  }
0x62: {  	_ =	shalt  }
0x63: {  	_ =	shalt  }
0x64: {  	_ =	shalt  }
0x65: {  	_ =	shalt  }
0x66: {  	_ =	shalt  }
0x67: {  	_ =	shalt  }
0x68: {  	_ =	shalt  }
0x69: {  	_ =	shalt  }
0x6a: {  	_ =	shalt  }
0x6b: {  	_ =	shalt  }
0x6c: {  	_ =	shalt  }
0x6d: {  	_ =	shalt  }
0x6e: {  	_ =	shalt  }
0x6f: {  	_ =	shalt  }
0x70: {  	_ =	shalt  }
0x71: {  	_ =	shalt  }
0x72: {  	_ =	shalt  }
0x73: {  	_ =	shalt  }
0x74: {  	_ =	shalt  }
0x75: {  	_ =	shalt  }
0x76: {  	_ =	shalt  }
0x77: {  	_ =	shalt  }
0x78: {  	_ =	shalt  }
0x79: {  	_ =	shalt  }
0x7a: {  	_ =	shalt  }
0x7b: {  	_ =	shalt  }
0x7c: {  	_ =	shalt  }
0x7d: {  	_ =	shalt  }
0x7e: {  	_ =	shalt  }
0x7f: {  	_ =	shalt  }
0x80: {  	_ =	shalt  }
0x81: {  	_ =	shalt  }
0x82: {  	_ =	shalt  }
0x83: {  	_ =	shalt  }
0x84: {  	_ =	shalt  }
0x85: {  	_ =	shalt  }
0x86: {  	_ =	shalt  }
0x87: {  	_ =	shalt  }
.Lfunc_end0:
.L_simem_size_0:
called_computation.1_lowered:
.L_overlay_start_0:
0x88: {  	s2 =	sld [smem:$0x3FD9]  }
0x89: {  	s3 =	sld [smem:$0x3FFE];
	_ =	sdelay $0x1  }
0x8a: {  	s1 =	srdreg.scid  }
0x8b: {  	s0 =	sand.u32 $0x1, s1  }
0x8c: {  	s16 =	sshll.u32 s0, $0xA;
	s2 =	sadd.s32 s3, s2  }
0x8d: {  	s2 =	sadd.s32 s2, s16  }
0x8e: {  	[smem:$0x3FC6] =	sst s2  }
0x8f: {  	_ = 	snop  }
0x90: {  	(tm) =	ssettm $0x1  }
0x91: {  	s17 =	sld [smem:$0x3FFB];
	_ =	sdelay $0x3  }
0x92: {  	_ =	strace s17  }
0x93: {  	s2 =	sld [smem:$0x3FFC];
	_ =	sdelay $0x3  }
0x94: {  	_ =	strace s2  }
0x95: {  	s2 =	sld [smem:$0x3FFD];
	_ =	sdelay $0x3  }
0x96: {  	_ =	strace s2  }
0x97: {  	_ =	strace $0x8FFFFFFF  }
0x98: {  	s18 =	sld [smem:$0x3FDB];
	_ =	sdelay $0x1  }
0x99: {  	s19 =	simm.s32 $_scs_section_size  }
0x9a: {  	s4 =	simm.s32 $_size__tile_overlayer_lowered;
	s5 =	simm.s32 $_tile_overlayer_lowered  }
0x9b: {  	s22 =	simm.s32 $0x1BFF;
	s21 =	sshll.u32 s5, $0x1;
	s2 =	sadd.s32 s19, s18  }
0x9c: {  	s6 =	simm.s32 $0x0;
	s20 =	sshll.u32 s4, $0x1;
	s4 =	sadd.s32 s21, s2  }
0x9d: {  	[timem:s6], [sflag:s22] =	dma.local [hbm:s4], s20  }
0x9e: {  	_ =	swait.ge [sflag:s22], s20  }
0x9f: {  	s3 =	ssub.s32 $0x0, s20;
	[sflag:s22] =	ssyncset.done $0x0  }
0xa0: {  	[sflag:s22] =	ssyncadd.s32 s3;
	_ =	sdelay $0x1  }
0xa1: {  	s23 =	simm.s32 $0x1B8B  }
0xa2: {  	_ =	swait.ge [sflag:s23], $0x1  }
0xa3: {  	[sflag:s23] =	ssyncset.done $0x0  }
0xa4: {  	s25 =	simm.s32 $0x1B8E;
	s24 =	sld [smem:$0x3FFE];
	[sflag:s23] =	ssyncadd.s32 $0xFFFFFFFF  }
0xa5: {  	s26 =	simm.s32 $execute0_lowered;
	[smem:$0x3FD2] =	sst s25  }
0xa6: {  	s4 =	sshll.u32 s26, $0x1;
	_ =	strace $0x80000046;
	[dreg:$0x1] =	wrdreg $0xFFFFFFFF  }
0xa7: {  	s28 =	simm.s32 $_size_execute0_lowered;
	s2 =	sadd.s32 s2, s4;
	[dreg:$0x0] =	wrdreg $0x0  }
0xa8: {  	s4 =	sshll.u32 s28, $0x1;
	[dreg:$0x2] =	wrdreg s2  }
0xa9: {  	[dreg:$0x3] =	wrdreg s4  }
0xaa: {  	[dreg:$0x4] =	wrdreg $0xC0  }
0xab: {  	_ =	task [dreg:s6], $0x5FFFF  }
0xac: {  	[dreg:$0x1] =	wrdreg $0xFFFFFFFF  }
0xad: {  	[dreg:$0x0] =	wrdreg $0x60  }
0xae: {  	[dreg:$0x2] =	wrdreg s24  }
0xaf: {  	[dreg:$0x3] =	wrdreg $0x9  }
0xb0: {  	_ =	task.clear_ibuf [dreg:s6], $0x4FFFF;
	_ =	strace $0x90000046  }
0xb1: {  	s29 =	simm.s32 $0x9;
	_ =	strace $0x80000048  }
0xb2: {  	_ =	swait.ge [sflag:s29], $0x1  }
0xb3: {  	[sflag:s29] =	ssyncadd.s32 $0xFFFFFFFF  }
0xb4: {  	_ =	strace $0x90000048  }
0xb5: {  	_ =	sfence  }
0xb6: {  	s30 =	sld [smem:$0x0];
	_ =	sdelay $0x2  }
0xb7: {  	s31 =	sshll.u32 s1, $0xD;
	s1 =	sshrl.u32 s1, $0x2  }
0xb8: {  	s3 =	sand.u32 $0x4000, s31;
	s1 =	sadd.s32 s1, s30  }
0xb9: {  	s0 =	sor.u32 s3, s0;
	s1 =	sshll.u32 s1, $0x11  }
0xba: {  	s0 =	sor.u32 s1, s0  }
0xbb: {  	s0 =	sadd.s32 $0x8F2B, s0  }
0xbc: {  	[sflag:s0] =	ssyncadd.remote.s32 $0x1  }
0xbd: {  	_ =	sfence.sel $0xFFFF  }
0xbe: {  	[dreg:$0x0] =	wrdreg $0xFFFFFFFF;
	(pc) =	sbr.abs _section_cstart, $3  }
0xbf: {  	[dreg:$0x1] =	wrdreg $0xFFFFFFFF  }
0xc0: {  	_ =	task.clear_ibuf [dreg:s6], $0x2FFFF;
	_ =	strace $0x9FFFFFFF  }
0xc1: {  	(tm) =	ssettm $0x7FFFFFFF  }
tec
execute0_lowered:
.L_overlay_start_1:
0x0: {  	(tag) =	ssettag $0x1  }
0x1: {  	s0 =	srdreg.scid;
	s5 =	rddreg [dreg:$0x0]  }
0x2: {  	s1 =	stileid.u32;
	s6 =	simm.s32 $0x1;
	s9 =	simm.s32 $0x1  }
0x3: {  	s10 =	simm.s32 $0x3;
	s13 =	simm.s32 $0x0;
	s2 =	sshll.u32 s0, $0xD  }
0x4: {  	s12 =	simm.s32 $0x0;
	s3 =	sshll.u32 s1, $0xE;
	s2 =	sand.u32 $0x2000, s2  }
0x5: {  	s0 =	rddreg [dreg:$0x1];
	_ =	strace $0x80000047;
	s2 =	sor.u32 s3, s2  }
0x6: {  	s4 =	sadd.s32 $0xB200, s5;
	[sflag:s6] =	ssyncpa.u1 $0x0;
	s8 =	ssub.s32 $0x44000, s2  }
.Ltmp0:
0x7: {  	s3 =	sadd.s32 $0x2E00, s5;
	s7 =	sand.u32 $0x3E000, s8;
	(pc) =	sbr.rel .LBB2_1-.Ltmp0, $4  }
0x8: {  	s5 =	sadd.s32 $0x42C400, s5;
	s11 =	smov.u32 s2;
	p0 =	sne.s32 s7, $0x0  }
0x9: {  	s8 =	sshrl.u32 s8, $0x12;
	s7 =	simm.s32 $0x2;
	s9 =	simm.s32 @!p0 $0x0  }
0xa: {  	[sflag:s7] =	ssyncpa.u1 $0x0;
	p0 =	por $0x0, $0x0;
	s8 =	sadd.s32 s9, s8  }
0xb: {  	vm0 =	vmmov $0xffff;
	[sflag:s10] =	ssyncpa.u1 $0x0;
	s10 =	simm.s32 $0x0;
	s9 =	sadd.s32 $0x1, s8  }
.LBB2_4:
0xc: {  	v2 =	vnsel vm1, $0x0, v2  }
0xd: {  	vm1 =	vgt.s32 v0, $0x0;
	v2 =	vmin.u32 v2, $0x41892  }
0xe: {  	v0 =	vnsel vm1, $0x0, v0  }
0xf: {  	v0 =	vmin.u32 v0, $0x41892  }
0x10: {  	[tilespmem:s15], [sflag:$0x1] =	stream.indirect_vreg.gather [hbm4b:s3+s10], $0x1, v1, vm0, $0x4038;
	[tilespmem:$0x8000] =	vst v63  }
0x11: {  	(ifvalue) =	ssetifvalue $0x7FFFFFFF  }
0x12: {  	[tilespmem:s16], [sflag:$0x1] =	stream.indirect_vreg.gather [hbm4b:s3+s10], $0x1, v2, vm0, $0x4038;
	[tilespmem:$0x8000] =	vst v63  }
0x13: {  	s29 =	sadd.s32 $0x10, s16;
	(ifvalue) =	ssetifvalue $0x7FFFFFFF  }
0x14: {  	[tilespmem:s29], [sflag:$0x1] =	stream.indirect_vreg.gather [hbm4b:s3+s10], $0x1, v0, vm0, $0x4038;
	[tilespmem:$0x8000] =	vst v63  }
0x15: {  	_ =	swait.ge [sflag:s6], $0x2000  }
0x16: {  	s30 =	sshrl.u32 s13, $0x3;
	[sflag:s6] =	ssyncset.done $0x0  }
0x17: {  	s31 =	sand.u32 $0x7, s13;
	s15 =	sadd.s32 s5, s30;
	[sflag:s6] =	ssyncadd.s32 $0xFFFFE000  }
0x18: {  	[hbm4b:s15+s31] =	stream.linear.scatter [tilespmem:s14], [sflag:$0x3], $0x2000, $0x38;
	[tilespmem:$0x8000] =	vst v63  }
.LBB2_5:
0x19: {  	s15 =	sadd.s32 $0x40000, s11  }
0x1a: {  	p2 =	sgt.s32 s15, $0x43FFF  }
0x1b: {  	s15 =	smov.u32 @p2 s2;
	p2 =	sne.s32 s12, s9  }
.Ltmp1:
0x1c: {  	p1 =	slt.u32 s12, $0x2;
	(pc) =	sbr.rel @!p2 .LBB2_6-.Ltmp1, $4  }
0x1d: {  	s14 =	simm.s32 @!p1 $0x3  }
0x1e: {  	s16 =	sadd.s32 $0x1, s12;
	_ =	swait.ge @!p1 [sflag:s14], $0x2000  }
0x1f: {  	s13 =	smov.u32 s11;
	p0 =	por !p0, !p0;
	[sflag:s14] =	ssyncset.done @!p1 $0x0  }
0x20: {  	s12 =	smov.u32 s16;
	s11 =	smov.u32 s15;
	[sflag:s14] =	ssyncadd.s32 @!p1 $0xFFFFE000  }
.LBB2_1:
0x21: {  	p1 =	sge.u32 s12, s8  }
0x22: {  	s14 =	sxor.u32 @!p1 $0xFFFFFFFF, s12  }
0x23: {  	s31 =	sadd.s32 $0xFFFFFFFF, s12;
	s15 =	sshrl.u32 @!p1 s11, $0x3;
	s14 =	sshll.u32 @!p1 s14, $0xD  }
0x24: {  	s16 =	sand.u32 @!p1 $0x7, s11;
	s15 =	sadd.s32 @!p1 s4, s15;
	s14 =	sand.u32 @!p1 $0x2000, s14  }
0x25: {  	[tilespmem:s14], [sflag:$0x2] =	stream.linear.gather @!p1 [hbm4b:s15+s16], $0x2000, $0x38;
	[tilespmem:$0x8000] =	vst v63  }
0x26: {  	p1 =	sge.u32 s31, s8  }
.Ltmp2:
0x27: {  	_ = 	snop;
	(pc) =	sbr.rel @p1 .LBB2_5-.Ltmp2, $1  }
0x28: {  	_ =	sdelay $0x3  }
0x29: {  	s14 =	simm.s32 $0x1  }
0x2a: {  	_ =	swait.ge [sflag:s7], $0x2000;
	s14 =	simm.s32 @!p0 $0x0  }
0x2b: {  	[sflag:s7] =	ssyncset.done $0x0;
	s14 =	sshll.u32 s14, $0xD  }
0x2c: {  	[sflag:s7] =	ssyncadd.s32 $0xFFFFE000;
	(ifvalue) =	ssetifvalue $0x7FFFFFFF;
	v0 =	vld.msk [tilespmem:s14+$0x0 ss:$0x1], $0xffff;
	_ =	sdelay $0x4  }
0x2d: {  	s15 =	sadd.s32 $0x10, s14;
	vm1 =	vgt.s32 v0, $0x0  }
0x2e: {  	v2 =	vld.msk [tilespmem:s15+$0x0 ss:$0x1], $0xffff;
	v1 =	vnsel vm1, $0x0, v0  }
0x2f: {  	v1 =	vmin.u32 v1, $0x41892;
	_ =	sdelay $0x1  }
0x30: {  	s16 =	sshll.u32 s12, $0xD;
	s18 =	simm.s32 $0x20  }
0x31: {  	s16 =	sand.u32 $0x2000, s16;
	s17 =	sadd.s32 $0x10, s15;
	s15 =	sor.u32 $0x4000, s14  }
0x32: {  	s14 =	sor.u32 $0x4000, s16;
	s16 =	sadd.s32 $0x10, s15;
	v0 =	vld.msk [tilespmem:s17+$0x0 ss:$0x1], $0xffff;
	vm1 =	vgt.s32 v2, $0x0;
	(ifvalue) =	ssetifvalue $0x7FFFFFFF  }
.LBB2_3:
0x33: {  	[tilespmem:s15], [sflag:$0x1] =	stream.indirect_vreg.gather [hbm4b:s3+s10], $0x1, v1, vm0, $0x4038;
	[tilespmem:$0x8000] =	vst v63  }
0x34: {  	s18 =	sadd.s32 $0x10, s18  }
0x35: {  	v2 =	vnsel vm1, $0x0, v2;
	p1 =	slt.u32 s18, $0x1FF0  }
.Ltmp3:
0x36: {  	s15 =	smov.u32 s16;
	v1 =	vmin.u32 v2, $0x41892;
	(pc) =	sbr.rel @p1 .LBB2_3-.Ltmp3, $3  }
0x37: {  	_ =	sdelay $0x1  }
0x38: {  	s17 =	sadd.s32 $0x10, s17  }
0x39: {  	vm1 =	vgt.s32 v0, $0x0;
	s16 =	sadd.s32 $0x10, s16;
	v2 =	vmov v0;
	(ifvalue) =	ssetifvalue $0x7FFFFFFF;
	v0 =	vld.msk [tilespmem:s17+$0x0 ss:$0x1], $0xffff  }
.Ltmp4:
0x3a: {  	_ = 	snop;
	(pc) =	sbr.rel .LBB2_4-.Ltmp4, $1  }
0x3b: {  	_ =	sdelay $0x3  }
.LBB2_6:
0x3c: {  	_ =	sfence.sel $0x180000  }
0x3d: {  	s2 =	simm.s32 $0x2;
	[bflag:$0x0] =	sbarrier.arrive $0xFFFF  }
0x3e: {  	s30 =	simm.s32 $0x3;
	[sflag:s2] =	ssyncpa.u1 $0x1  }
0x3f: {  	s31 =	simm.s32 $0x1;
	[sflag:s30] =	ssyncpa.u1 $0x1  }
0x40: {  	[sflag:s31] =	ssyncpa.u1 $0x1  }
0x41: {  	p0 =	sne.s32 s1, $0x0;
	_ =	strace $0x90000047  }
0x42: {  	s0 =	sadd.s32 @!p0 $0x100000, s0;
	[bflag:$0x2] =	sbarrier.arrive $0xFFFF  }
0x43: {  	[sflag:s0] =	ssyncadd.tile.s32 @!p0 $0x1;
	_ =	shalt  }
.Lfunc_end2:
_tile_overlayer_lowered:
.L_overlay_start_2:
0x44: {  	(tag) =	ssettag $0x2  }
0x45: {  	s0 =	rddreg [dreg:$0x0];
	s2 =	stileid.u32  }
0x46: {  	s1 =	rddreg [dreg:$0x1];
	p0 =	sne.s32 s2, $0x0  }
0x47: {  	s3 =	rddreg [dreg:$0x2];
	[bflag:$0x3] =	sbarrier.arrive $0xFFFF;
	s2 =	simm.s32 @!p0 $0x1C01  }
0x48: {  	[timem:s3], [sflag:s2] =	dma.local @!p0 [hbm:s0], s1  }
0x49: {  	s0 =	simm.s32 @!p0 $0x1  }
0x4a: {  	_ =	swait.ge @!p0 [sflag:s0], s1  }
0x4b: {  	s1 =	ssub.s32 @!p0 $0x0, s1;
	[sflag:s0] =	ssyncset.done @!p0 $0x0  }
0x4c: {  	[sflag:s0] =	ssyncadd.s32 @!p0 s1  }
0x4d: {  	[bflag:$0x3] =	sbarrier.arrive $0xFFFF  }
0x4e: {  	_ =	shalt  }

// kernel: kernel.11.cloned.1.call-start
scs
__scs_entry_jumppad:
0x0: {  	(pc) =	sbr.rel $0x88, $3  }
0x1: {  	(tag) =	ssettag $0x0;
	lr =	simm.s32 $0x1  }
0x2: {  	[smem:$0x3F9F] =	sst lr;
	_ =	strace $0xD0000000  }
0x3: {  	_ = 	snop  }
0x4: {  	_ = 	snop  }
0x5: {  	_ = 	snop  }
0x6: {  	_ = 	snop  }
0x7: {  	_ = 	snop  }
__scs_overlays_trampoline_lowered:
0x8: {  	[smem:$0x3FAE] =	sst s0  }
0x9: {  	[smem:$0x3FAF] =	sst s1  }
0xa: {  	[smem:$0x3FB0] =	sst s2  }
0xb: {  	[smem:$0x3FB1] =	sst s3  }
0xc: {  	[smem:$0x3FB2] =	sst s4  }
0xd: {  	[smem:$0x3FB3] =	sst s5  }
0xe: {  	[smem:$0x3FB4] =	sst s6  }
0xf: {  	[smem:$0x3FB5] =	sst s7  }
0x10: {  	[smem:$0x3FB6] =	sst s8  }
0x11: {  	[smem:$0x3FB7] =	sst s9;
	s0 =	simm.s32 @!p0 $0x0  }
0x12: {  	s1 =	sld [smem:$0x3F9D];
	s0 =	simm.s32 @p0 $0x1  }
0x13: {  	[smem:$0x3FB8] =	sst s0;
	s0 =	simm.s32 @!p1 $0x0  }
0x14: {  	s2 =	sld [smem:$0x3F9C];
	s0 =	simm.s32 @p1 $0x1  }
0x15: {  	[smem:$0x3FB9] =	sst s0;
	s0 =	simm.s32 @!p2 $0x0  }
0x16: {  	s3 =	sld [smem:$0x3FDB];
	s0 =	simm.s32 @p2 $0x1  }
0x17: {  	s4 =	simm.s32 $0x1BF5;
	[smem:$0x3FBB] =	sst s0  }
0x18: {  	s0 =	sld [smem:$0x3F9E];
	_ =	swait.ge [sflag:s4], $0x0  }
0x19: {  	s7 =	sld [smem:$0x3F9F]  }
0x1a: {  	s8 =	sadd.s32 $0xFFFFE003, lr  }
0x1b: {  	s9 =	sadd.s32 $0xFFFFFEF7, lr;
	s5 =	simm.s32 $0xFFFFFFFF;
	p2 =	slt.u32 s8, $0xFFFFF086  }
0x1c: {  	p1 =	slt.u32 s9, $0xF7A;
	s5 =	simm.s32 @!p2 $0x0  }
0x1d: {  	s5 =	simm.s32 @p1 $0x1;
	p0 =	seq.s32 s7, s2  }
0x1e: {  	s7 =	smul.u32 @!p0 $0xF7A, s2;
	p2 =	seq.s32 @!p0 s5, $0x0  }
0x1f: {  	s9 =	smul.u32 $0xF7A, s1;
	s8 =	simm.s32 @!p0 $0x1BF5;
	p2 =	por !p2, p0  }
0x20: {  	[sflag:s8] =	ssyncset.s32 @!p0 $0xFFFFF086;
	s6 =	sadd.s32 @!p0 s3, s7;
	s7 =	simm.s32 @!p0 $0x108  }
0x21: {  	s3 =	sadd.s32 s3, s9;
	s6 =	sadd.s32 @!p0 $0x88, s6;
	s7 =	simm.s32 @p2 $0x1082  }
0x22: {  	[simem:s7], [sflag:s8] =	dma.local @!p0 [hbm:s6], $0xF7A  }
0x23: {  	s9 =	sor.u32 $0xD0000000, s2;
	s6 =	simm.s32 $0x108;
	_ =	swait.ge @!p0 [sflag:s8], $0x0  }
0x24: {  	s3 =	sadd.s32 $0x88, s3;
	s6 =	simm.s32 @!p1 $0x1082;
	[sflag:s4] =	ssyncset.s32 $0xFFFFF086  }
0x25: {  	[simem:s6], [sflag:s4] =	dma.local [hbm:s3], $0xF7A  }
0x26: {  	[smem:$0x3F9F] =	sst s1;
	(tag) =	ssettag s2;
	_ =	strace s9  }
0x27: {  	s1 =	sld [smem:$0x3FAF]  }
0x28: {  	s2 =	sld [smem:$0x3FB0]  }
0x29: {  	s4 =	sld [smem:$0x3FB2]  }
0x2a: {  	p0 =	seq.s32 s5, $0x0;
	s5 =	sld [smem:$0x3FB3]  }
0x2b: {  	s6 =	sld [smem:$0x3FB4]  }
0x2c: {  	s7 =	sld [smem:$0x3FB5]  }
0x2d: {  	s3 =	simm.s32 $0x108;
	s8 =	sld [smem:$0x3FB6]  }
0x2e: {  	s3 =	simm.s32 @!p0 $0x1082;
	s9 =	sld [smem:$0x3FB7]  }
0x2f: {  	lr =	sadd.s32 s0, s3;
	s0 =	sld [smem:$0x3FAE]  }
0x30: {  	s3 =	sld [smem:$0x3FB1]  }
0x31: {  	[smem:$0x3FBA] =	sst s10  }
0x32: {  	s10 =	sld [smem:$0x3FB8];
	_ =	sdelay $0x3  }
0x33: {  	p0 =	seq.s32 s10, $0x1;
	s10 =	sld [smem:$0x3FBA];
	_ =	sdelay $0x3  }
0x34: {  	[smem:$0x3FBA] =	sst s10  }
0x35: {  	s10 =	sld [smem:$0x3FB9];
	_ =	sdelay $0x3  }
0x36: {  	p1 =	seq.s32 s10, $0x1;
	s10 =	sld [smem:$0x3FBA];
	_ =	sdelay $0x3  }
0x37: {  	[smem:$0x3FBA] =	sst s10  }
0x38: {  	s10 =	sld [smem:$0x3FBB]  }
0x39: {  	_ = 	snop;
	(pc) =	sbr.ind lr, $3  }
0x3a: {  	_ = 	snop  }
0x3b: {  	_ = 	snop  }
0x3c: {  	p2 =	seq.s32 s10, $0x1;
	s10 =	sld [smem:$0x3FBA]  }
0x3d: {  	_ =	shalt  }
0x3e: {  	_ =	shalt  }
0x3f: {  	_ =	shalt  }
0x40: {  	_ =	shalt  }
0x41: {  	_ =	shalt  }
0x42: {  	_ =	shalt  }
0x43: {  	_ =	shalt  }
0x44: {  	_ =	shalt  }
0x45: {  	_ =	shalt  }
0x46: {  	_ =	shalt  }
0x47: {  	_ =	shalt  }
0x48: {  	_ =	shalt  }
0x49: {  	_ =	shalt  }
0x4a: {  	_ =	shalt  }
0x4b: {  	_ =	shalt  }
0x4c: {  	_ =	shalt  }
0x4d: {  	_ =	shalt  }
0x4e: {  	_ =	shalt  }
0x4f: {  	_ =	shalt  }
0x50: {  	_ =	shalt  }
0x51: {  	_ =	shalt  }
0x52: {  	_ =	shalt  }
0x53: {  	_ =	shalt  }
0x54: {  	_ =	shalt  }
0x55: {  	_ =	shalt  }
0x56: {  	_ =	shalt  }
0x57: {  	_ =	shalt  }
0x58: {  	_ =	shalt  }
0x59: {  	_ =	shalt  }
0x5a: {  	_ =	shalt  }
0x5b: {  	_ =	shalt  }
0x5c: {  	_ =	shalt  }
0x5d: {  	_ =	shalt  }
0x5e: {  	_ =	shalt  }
0x5f: {  	_ =	shalt  }
0x60: {  	_ =	shalt  }
0x61: {  	_ =	shalt  }
0x62: {  	_ =	shalt  }
0x63: {  	_ =	shalt  }
0x64: {  	_ =	shalt  }
0x65: {  	_ =	shalt  }
0x66: {  	_ =	shalt  }
0x67: {  	_ =	shalt  }
0x68: {  	_ =	shalt  }
0x69: {  	_ =	shalt  }
0x6a: {  	_ =	shalt  }
0x6b: {  	_ =	shalt  }
0x6c: {  	_ =	shalt  }
0x6d: {  	_ =	shalt  }
0x6e: {  	_ =	shalt  }
0x6f: {  	_ =	shalt  }
0x70: {  	_ =	shalt  }
0x71: {  	_ =	shalt  }
0x72: {  	_ =	shalt  }
0x73: {  	_ =	shalt  }
0x74: {  	_ =	shalt  }
0x75: {  	_ =	shalt  }
0x76: {  	_ =	shalt  }
0x77: {  	_ =	shalt  }
0x78: {  	_ =	shalt  }
0x79: {  	_ =	shalt  }
0x7a: {  	_ =	shalt  }
0x7b: {  	_ =	shalt  }
0x7c: {  	_ =	shalt  }
0x7d: {  	_ =	shalt  }
0x7e: {  	_ =	shalt  }
0x7f: {  	_ =	shalt  }
0x80: {  	_ =	shalt  }
0x81: {  	_ =	shalt  }
0x82: {  	_ =	shalt  }
0x83: {  	_ =	shalt  }
0x84: {  	_ =	shalt  }
0x85: {  	_ =	shalt  }
0x86: {  	_ =	shalt  }
0x87: {  	_ =	shalt  }
.Lfunc_end0:
.L_simem_size_0:
called_computation.4_lowered:
.L_overlay_start_0:
0x88: {  	s2 =	sld [smem:$0x3FD9]  }
0x89: {  	s3 =	sld [smem:$0x3FFE];
	_ =	sdelay $0x1  }
0x8a: {  	s1 =	srdreg.scid  }
0x8b: {  	s0 =	sand.u32 $0x1, s1  }
0x8c: {  	s17 =	sshll.u32 s0, $0xA;
	s2 =	sadd.s32 s3, s2  }
0x8d: {  	s2 =	sadd.s32 s2, s17  }
0x8e: {  	[smem:$0x3FC6] =	sst s2  }
0x8f: {  	_ = 	snop  }
0x90: {  	s2 =	sld [smem:$0x3FD0];
	(tm) =	ssettm $0x1  }
0x91: {  	s18 =	sld [smem:$0x3FFB];
	_ =	sdelay $0x3  }
0x92: {  	_ =	strace s18  }
0x93: {  	s3 =	sld [smem:$0x3FFC];
	_ =	sdelay $0x3  }
0x94: {  	_ =	strace s3  }
0x95: {  	s3 =	sld [smem:$0x3FFD];
	_ =	sdelay $0x3  }
0x96: {  	_ =	strace s3  }
0x97: {  	_ =	strace $0x8FFFFFFF  }
0x98: {  	s19 =	sld [smem:$0x3FDB];
	_ =	sdelay $0x1  }
0x99: {  	s4 =	simm.s32 $_scs_section_size  }
0x9a: {  	s5 =	simm.s32 $_size__tile_overlayer_lowered;
	s6 =	simm.s32 $_tile_overlayer_lowered  }
0x9b: {  	s22 =	simm.s32 $0x1BFF;
	s21 =	sshll.u32 s6, $0x1;
	s3 =	sadd.s32 s4, s19  }
0x9c: {  	s7 =	simm.s32 $0x0;
	s20 =	sshll.u32 s5, $0x1;
	s5 =	sadd.s32 s21, s3  }
0x9d: {  	[timem:s7], [sflag:s22] =	dma.local [hbm:s5], s20  }
0x9e: {  	_ =	swait.ge [sflag:s22], s20  }
0x9f: {  	s4 =	ssub.s32 $0x0, s20;
	[sflag:s22] =	ssyncset.done $0x0  }
0xa0: {  	[sflag:s22] =	ssyncadd.s32 s4;
	_ =	sdelay $0x1  }
0xa1: {  	s23 =	simm.s32 $0x1B8B  }
0xa2: {  	_ =	swait.ge [sflag:s23], $0x1  }
0xa3: {  	[sflag:s23] =	ssyncset.done $0x0  }
0xa4: {  	s25 =	simm.s32 $0x1B8E;
	s24 =	sld [smem:$0x3FFE];
	[sflag:s23] =	ssyncadd.s32 $0xFFFFFFFF  }
0xa5: {  	s26 =	simm.s32 $execute0_lowered;
	[smem:$0x3FD2] =	sst s25  }
0xa6: {  	s5 =	sshll.u32 s26, $0x1;
	_ =	strace $0x8000004F;
	[dreg:$0x1] =	wrdreg $0xFFFFFFFF  }
0xa7: {  	s28 =	simm.s32 $_size_execute0_lowered;
	s3 =	sadd.s32 s3, s5;
	[dreg:$0x0] =	wrdreg $0x0  }
0xa8: {  	s5 =	sshll.u32 s28, $0x1;
	[dreg:$0x2] =	wrdreg s3  }
0xa9: {  	[dreg:$0x3] =	wrdreg s5  }
0xaa: {  	[dreg:$0x4] =	wrdreg $0xC0  }
0xab: {  	_ =	task [dreg:s7], $0x5FFFF  }
0xac: {  	[dreg:$0x1] =	wrdreg $0xFFFFFFFF  }
0xad: {  	[dreg:$0x0] =	wrdreg $0x60  }
0xae: {  	[dreg:$0x2] =	wrdreg s24  }
0xaf: {  	[dreg:$0x3] =	wrdreg s2  }
0xb0: {  	[dreg:$0x4] =	wrdreg $0x9  }
0xb1: {  	_ =	task.clear_ibuf [dreg:s7], $0x5FFFF;
	_ =	strace $0x9000004F  }
0xb2: {  	s29 =	simm.s32 $0x9;
	_ =	strace $0x80000051  }
0xb3: {  	_ =	swait.ge [sflag:s29], $0x1  }
0xb4: {  	[sflag:s29] =	ssyncadd.s32 $0xFFFFFFFF  }
0xb5: {  	_ =	strace $0x90000051  }
0xb6: {  	_ =	sfence  }
0xb7: {  	s30 =	sld [smem:$0x0];
	_ =	sdelay $0x2  }
0xb8: {  	s31 =	sshll.u32 s1, $0xD;
	s1 =	sshrl.u32 s1, $0x2  }
0xb9: {  	s3 =	sand.u32 $0x4000, s31;
	s1 =	sadd.s32 s1, s30  }
0xba: {  	s0 =	sor.u32 s3, s0;
	s1 =	sshll.u32 s1, $0x11  }
0xbb: {  	s0 =	sor.u32 s1, s0  }
0xbc: {  	s0 =	sadd.s32 $0x8F2B, s0  }
0xbd: {  	[sflag:s0] =	ssyncadd.remote.s32 $0x1  }
0xbe: {  	_ =	sfence.sel $0xFFFF  }
0xbf: {  	[dreg:$0x0] =	wrdreg $0xFFFFFFFF;
	(pc) =	sbr.abs _section_cstart, $3  }
0xc0: {  	[dreg:$0x1] =	wrdreg $0xFFFFFFFF  }
0xc1: {  	_ =	task.clear_ibuf [dreg:s7], $0x2FFFF;
	_ =	strace $0x9FFFFFFF  }
0xc2: {  	(tm) =	ssettm $0x7FFFFFFF  }
0xc3: {  	_ =	shalt  }
tec
execute0_lowered:
.L_overlay_start_1:
0x0: {  	(tag) =	ssettag $0x1  }
0x1: {  	s3 =	rddreg [dreg:$0x0]  }
0x2: {  	s7 =	rddreg [dreg:$0x1]  }
0x3: {  	s0 =	rddreg [dreg:$0x2]  }
0x4: {  	s2 =	simm.s32 $0x0;
	s4 =	srdreg.scid;
	s1 =	stileid.u32  }
0x5: {  	[smem:$0x7FF] =	sst s2;
	s8 =	sand.u32 $0x1, s4;
	s10 =	smul.u32 $0x41A0, s1  }
0x6: {  	s29 =	sshll.u32 s1, $0x1;
	s9 =	sadd.s32 $0x2400, s3;
	s13 =	smul.u32 $0x20D00, s1  }
0x7: {  	s3 =	sadd.s32 $0x65800, s3;
	s4 =	sadd.s32 $0x20C380, s7;
	s12 =	smul.u32 $0x20D0, s8  }
0x8: {  	s5 =	ssub.s32 $0x2, s8;
	s14 =	sor.u32 s8, s29;
	s8 =	smul.u32 $0x10680, s8  }
0x9: {  	_ =	strace $0x80000050;
	s30 =	sshrl.u32 s5, $0x1;
	s6 =	smul.u32 $0x20D0, s14  }
0xa: {  	s31 =	sadd.s32 s13, s7;
	s13 =	simm.s32 $0x3;
	p0 =	seq.s32 s14, $0x1F  }
0xb: {  	s14 =	simm.s32 $0x0;
	s5 =	ssub.s32 s5, s30;
	s10 =	sadd.s32 s12, s10  }
0xc: {  	s8 =	sadd.s32 s8, s31;
	s12 =	simm.s32 $0x1;
	s11 =	sadd.s32 $0x1F40, s6  }
0xd: {  	s5 =	smax.u32 s5, $0x1;
	s6 =	sshrl.u32 s11, $0x3;
	s11 =	sshll.u32 s11, $0x3  }
0xe: {  	s10 =	sshrl.u32 s10, $0x3;
	s6 =	sadd.s32 s9, s6;
	s7 =	sadd.s32 s7, s11  }
0xf: {  	s9 =	sadd.s32 s10, s9;
	s10 =	simm.s32 $0x4;
	s11 =	simm.s32 $0x190  }
.LBB2_1:
0x10: {  	s15 =	sadd.s32 $0x0, s9  }
0x11: {  	[tilespmem:s2], [sflag:$0x4] =	stream.linear.gather [hbm4b:s15+s2], $0x190, $0x38;
	[tilespmem:$0x6590] =	vst v63  }
0x12: {  	_ =	swait.ge [sflag:s10], $0x190  }
0x13: {  	[sflag:s10] =	ssyncset.done $0x0  }
0x14: {  	[sflag:s10] =	ssyncadd.s32 $0xFFFFFE70  }
0x15: {  	[tilespmem:s11], [sflag:$0x1] =	stream.indirect.gather [hbm4b:s3+s11], $0x40, s2, s11, $0xb8;
	[tilespmem:$0x6590] =	vst v63  }
0x16: {  	_ =	swait.ge [sflag:s12], $0x6400  }
0x17: {  	[sflag:s12] =	ssyncset.done $0x0  }
0x18: {  	[sflag:s12] =	ssyncadd.s32 $0xFFFF9C00  }
0x19: {  	[hbm4b:s8+s2] =	stream.linear.scatter [tilespmem:s11], [sflag:$0x3], $0x6400, $0x38;
	[tilespmem:$0x6590] =	vst v63  }
0x1a: {  	s16 =	simm.s32 $0x32;
	_ =	swait.ge [sflag:s13], $0x6400  }
0x1b: {  	s17 =	simm.s32 $0x64;
	s15 =	sadd.s32 $0xC80, s8;
	[sflag:s13] =	ssyncset.done $0x0  }
.LBB2_2:
0x1c: {  	s18 =	sadd.s32 s16, s9  }
0x1d: {  	[sflag:s13] =	ssyncadd.s32 $0xFFFF9C00;
	s16 =	smov.u32 s17;
	s19 =	sadd.s32 $0x32, s17  }
0x1e: {  	[tilespmem:s2], [sflag:$0x4] =	stream.linear.gather [hbm4b:s18+s2], $0x190, $0x38;
	[tilespmem:$0x6590] =	vst v63  }
0x1f: {  	p1 =	sne.s32 s17, $0x3B6;
	_ =	swait.ge [sflag:s10], $0x190  }
0x20: {  	[sflag:s10] =	ssyncset.done $0x0  }
0x21: {  	[sflag:s10] =	ssyncadd.s32 $0xFFFFFE70  }
0x22: {  	[tilespmem:s11], [sflag:$0x1] =	stream.indirect.gather [hbm4b:s3+s11], $0x40, s2, s11, $0xb8;
	[tilespmem:$0x6590] =	vst v63  }
0x23: {  	_ =	swait.ge [sflag:s12], $0x6400  }
.Ltmp0:
0x24: {  	[sflag:s12] =	ssyncset.done $0x0;
	(pc) =	sbr.rel @p1 .LBB2_2-.Ltmp0, $4  }
0x25: {  	[sflag:s12] =	ssyncadd.s32 $0xFFFF9C00  }
0x26: {  	[hbm4b:s15+s2] =	stream.linear.scatter [tilespmem:s11], [sflag:$0x3], $0x6400, $0x38;
	[tilespmem:$0x6590] =	vst v63  }
0x27: {  	_ =	swait.ge [sflag:s13], $0x6400  }
0x28: {  	s17 =	smov.u32 s19;
	s15 =	sadd.s32 $0xC80, s15;
	[sflag:s13] =	ssyncset.done $0x0  }
0x29: {  	s16 =	sadd.s32 s16, s9;
	[sflag:s13] =	ssyncadd.s32 $0xFFFF9C00  }
0x2a: {  	[tilespmem:s2], [sflag:$0x4] =	stream.linear.gather [hbm4b:s16+s2], $0x190, $0x38;
	[tilespmem:$0x6590] =	vst v63  }
0x2b: {  	_ =	swait.ge [sflag:s10], $0x190  }
0x2c: {  	[sflag:s10] =	ssyncset.done $0x0  }
0x2d: {  	[sflag:s10] =	ssyncadd.s32 $0xFFFFFE70  }
0x2e: {  	[tilespmem:s11], [sflag:$0x1] =	stream.indirect.gather [hbm4b:s3+s11], $0x40, s2, s11, $0xb8;
	[tilespmem:$0x6590] =	vst v63  }
0x2f: {  	_ =	swait.ge [sflag:s12], $0x6400  }
0x30: {  	[sflag:s12] =	ssyncset.done $0x0  }
0x31: {  	[sflag:s12] =	ssyncadd.s32 $0xFFFF9C00  }
0x32: {  	[hbm4b:s15+s2] =	stream.linear.scatter [tilespmem:s11], [sflag:$0x3], $0x6400, $0x38;
	[tilespmem:$0x6590] =	vst v63  }
0x33: {  	_ =	swait.ge [sflag:s13], $0x6400  }
0x34: {  	[sflag:s13] =	ssyncset.done $0x0  }
0x35: {  	[sflag:s13] =	ssyncadd.s32 $0xFFFF9C00  }
0x36: {  	[tilespmem:s2], [sflag:$0x4] =	stream.linear.gather [hbm4b:s6+s2], $0x190, $0x38;
	[tilespmem:$0x6590] =	vst v63  }
0x37: {  	_ =	swait.ge [sflag:s10], $0x190  }
0x38: {  	[sflag:s10] =	ssyncset.done $0x0  }
0x39: {  	[sflag:s10] =	ssyncadd.s32 $0xFFFFFE70  }
0x3a: {  	[tilespmem:s11], [sflag:$0x1] =	stream.indirect.gather [hbm4b:s3+s11], $0x40, s2, s11, $0xb8;
	[tilespmem:$0x6590] =	vst v63  }
0x3b: {  	_ =	swait.ge [sflag:s12], $0x6400  }
0x3c: {  	[sflag:s12] =	ssyncset.done $0x0  }
0x3d: {  	s16 =	simm.s32 @p0 $0x190;
	s15 =	simm.s32 @p0 $0x0;
	[sflag:s12] =	ssyncadd.s32 $0xFFFF9C00  }
0x3e: {  	[hbm4b:s4+s15] =	stream.linear.scatter @p0 [tilespmem:s16], [sflag:$0x2], $0x8C0, $0x38;
	[tilespmem:$0x6590] =	vst v63  }
0x3f: {  	s15 =	simm.s32 @p0 $0x2  }
0x40: {  	s14 =	sadd.s32 $0x1, s14;
	_ =	swait.ge @p0 [sflag:s15], $0x8C0  }
0x41: {  	p1 =	sne.s32 s14, s5;
	[sflag:s15] =	ssyncset.done @p0 $0x0  }
0x42: {  	s16 =	simm.s32 @!p0 $0x190;
	[sflag:s15] =	ssyncadd.s32 @p0 $0xFFFFF740;
	s15 =	simm.s32 @!p0 $0x0  }
0x43: {  	[hbm4b:s7+s15] =	stream.linear.scatter @!p0 [tilespmem:s16], [sflag:$0x3], $0x6400, $0x38;
	[tilespmem:$0x6590] =	vst v63  }
.Ltmp1:
0x44: {  	_ = 	snop;
	(pc) =	sbr.rel @p1 .LBB2_1-.Ltmp1, $4  }
0x45: {  	s15 =	simm.s32 @!p0 $0x3  }
0x46: {  	_ =	swait.ge @!p0 [sflag:s15], $0x6400  }
0x47: {  	[sflag:s15] =	ssyncset.done @!p0 $0x0  }
0x48: {  	[sflag:s15] =	ssyncadd.s32 @!p0 $0xFFFF9C00  }
0x49: {  	_ =	sfence.sel $0x180000  }
0x4a: {  	[bflag:$0x0] =	sbarrier.arrive $0xFFFF  }
0x4b: {  	p0 =	sne.s32 s1, $0x0;
	_ =	strace $0x90000050  }
0x4c: {  	s0 =	sadd.s32 @!p0 $0x100000, s0;
	[bflag:$0x2] =	sbarrier.arrive $0xFFFF  }
0x4d: {  	[sflag:s0] =	ssyncadd.tile.s32 @!p0 $0x1;
	_ =	shalt  }
.Lfunc_end2:
_tile_overlayer_lowered:
.L_overlay_start_2:
0x4e: {  	(tag) =	ssettag $0x2  }
0x4f: {  	s0 =	rddreg [dreg:$0x0];
	s2 =	stileid.u32  }
0x50: {  	s1 =	rddreg [dreg:$0x1];
	p0 =	sne.s32 s2, $0x0  }
0x51: {  	s3 =	rddreg [dreg:$0x2];
	[bflag:$0x3] =	sbarrier.arrive $0xFFFF;
	s2 =	simm.s32 @!p0 $0x1C02  }
0x52: {  	[timem:s3], [sflag:s2] =	dma.local @!p0 [hbm:s0], s1  }
0x53: {  	s0 =	simm.s32 @!p0 $0x2  }
0x54: {  	_ =	swait.ge @!p0 [sflag:s0], s1  }
0x55: {  	s1 =	ssub.s32 @!p0 $0x0, s1;
	[sflag:s0] =	ssyncset.done @!p0 $0x0  }
0x56: {  	[sflag:s0] =	ssyncadd.s32 @!p0 s1  }
0x57: {  	[bflag:$0x3] =	sbarrier.arrive $0xFFFF  }
0x58: {  	_ =	shalt  }

// kernel: kernel.5.cloned.1.call-start
scs
__scs_entry_jumppad:
0x0: {  	(pc) =	sbr.rel $0x88, $3  }
0x1: {  	(tag) =	ssettag $0x0;
	lr =	simm.s32 $0x1  }
0x2: {  	[smem:$0x3F9F] =	sst lr;
	_ =	strace $0xD0000000  }
0x3: {  	_ = 	snop  }
0x4: {  	_ = 	snop  }
0x5: {  	_ = 	snop  }
0x6: {  	_ = 	snop  }
0x7: {  	_ = 	snop  }
__scs_overlays_trampoline_lowered:
0x8: {  	[smem:$0x3FAE] =	sst s0  }
0x9: {  	[smem:$0x3FAF] =	sst s1  }
0xa: {  	[smem:$0x3FB0] =	sst s2  }
0xb: {  	[smem:$0x3FB1] =	sst s3  }
0xc: {  	[smem:$0x3FB2] =	sst s4  }
0xd: {  	[smem:$0x3FB3] =	sst s5  }
0xe: {  	[smem:$0x3FB4] =	sst s6  }
0xf: {  	[smem:$0x3FB5] =	sst s7  }
0x10: {  	[smem:$0x3FB6] =	sst s8  }
0x11: {  	[smem:$0x3FB7] =	sst s9;
	s0 =	simm.s32 @!p0 $0x0  }
0x12: {  	s1 =	sld [smem:$0x3F9D];
	s0 =	simm.s32 @p0 $0x1  }
0x13: {  	[smem:$0x3FB8] =	sst s0;
	s0 =	simm.s32 @!p1 $0x0  }
0x14: {  	s2 =	sld [smem:$0x3F9C];
	s0 =	simm.s32 @p1 $0x1  }
0x15: {  	[smem:$0x3FB9] =	sst s0;
	s0 =	simm.s32 @!p2 $0x0  }
0x16: {  	s3 =	sld [smem:$0x3FDB];
	s0 =	simm.s32 @p2 $0x1  }
0x17: {  	s4 =	simm.s32 $0x1BF5;
	[smem:$0x3FBB] =	sst s0  }
0x18: {  	s0 =	sld [smem:$0x3F9E];
	_ =	swait.ge [sflag:s4], $0x0  }
0x19: {  	s7 =	sld [smem:$0x3F9F]  }
0x1a: {  	s8 =	sadd.s32 $0xFFFFE003, lr  }
0x1b: {  	s9 =	sadd.s32 $0xFFFFFEF7, lr;
	s5 =	simm.s32 $0xFFFFFFFF;
	p2 =	slt.u32 s8, $0xFFFFF086  }
0x1c: {  	p1 =	slt.u32 s9, $0xF7A;
	s5 =	simm.s32 @!p2 $0x0  }
0x1d: {  	s5 =	simm.s32 @p1 $0x1;
	p0 =	seq.s32 s7, s2  }
0x1e: {  	s7 =	smul.u32 @!p0 $0xF7A, s2;
	p2 =	seq.s32 @!p0 s5, $0x0  }
0x1f: {  	s9 =	smul.u32 $0xF7A, s1;
	s8 =	simm.s32 @!p0 $0x1BF5;
	p2 =	por !p2, p0  }
0x20: {  	[sflag:s8] =	ssyncset.s32 @!p0 $0xFFFFF086;
	s6 =	sadd.s32 @!p0 s3, s7;
	s7 =	simm.s32 @!p0 $0x108  }
0x21: {  	s3 =	sadd.s32 s3, s9;
	s6 =	sadd.s32 @!p0 $0x88, s6;
	s7 =	simm.s32 @p2 $0x1082  }
0x22: {  	[simem:s7], [sflag:s8] =	dma.local @!p0 [hbm:s6], $0xF7A  }
0x23: {  	s9 =	sor.u32 $0xD0000000, s2;
	s6 =	simm.s32 $0x108;
	_ =	swait.ge @!p0 [sflag:s8], $0x0  }
0x24: {  	s3 =	sadd.s32 $0x88, s3;
	s6 =	simm.s32 @!p1 $0x1082;
	[sflag:s4] =	ssyncset.s32 $0xFFFFF086  }
0x25: {  	[simem:s6], [sflag:s4] =	dma.local [hbm:s3], $0xF7A  }
0x26: {  	[smem:$0x3F9F] =	sst s1;
	(tag) =	ssettag s2;
	_ =	strace s9  }
0x27: {  	s1 =	sld [smem:$0x3FAF]  }
0x28: {  	s2 =	sld [smem:$0x3FB0]  }
0x29: {  	s4 =	sld [smem:$0x3FB2]  }
0x2a: {  	p0 =	seq.s32 s5, $0x0;
	s5 =	sld [smem:$0x3FB3]  }
0x2b: {  	s6 =	sld [smem:$0x3FB4]  }
0x2c: {  	s7 =	sld [smem:$0x3FB5]  }
0x2d: {  	s3 =	simm.s32 $0x108;
	s8 =	sld [smem:$0x3FB6]  }
0x2e: {  	s3 =	simm.s32 @!p0 $0x1082;
	s9 =	sld [smem:$0x3FB7]  }
0x2f: {  	lr =	sadd.s32 s0, s3;
	s0 =	sld [smem:$0x3FAE]  }
0x30: {  	s3 =	sld [smem:$0x3FB1]  }
0x31: {  	[smem:$0x3FBA] =	sst s10  }
0x32: {  	s10 =	sld [smem:$0x3FB8];
	_ =	sdelay $0x3  }
0x33: {  	p0 =	seq.s32 s10, $0x1;
	s10 =	sld [smem:$0x3FBA];
	_ =	sdelay $0x3  }
0x34: {  	[smem:$0x3FBA] =	sst s10  }
0x35: {  	s10 =	sld [smem:$0x3FB9];
	_ =	sdelay $0x3  }
0x36: {  	p1 =	seq.s32 s10, $0x1;
	s10 =	sld [smem:$0x3FBA];
	_ =	sdelay $0x3  }
0x37: {  	[smem:$0x3FBA] =	sst s10  }
0x38: {  	s10 =	sld [smem:$0x3FBB]  }
0x39: {  	_ = 	snop;
	(pc) =	sbr.ind lr, $3  }
0x3a: {  	_ = 	snop  }
0x3b: {  	_ = 	snop  }
0x3c: {  	p2 =	seq.s32 s10, $0x1;
	s10 =	sld [smem:$0x3FBA]  }
0x3d: {  	_ =	shalt  }
0x3e: {  	_ =	shalt  }
0x3f: {  	_ =	shalt  }
0x40: {  	_ =	shalt  }
0x41: {  	_ =	shalt  }
0x42: {  	_ =	shalt  }
0x43: {  	_ =	shalt  }
0x44: {  	_ =	shalt  }
0x45: {  	_ =	shalt  }
0x46: {  	_ =	shalt  }
0x47: {  	_ =	shalt  }
0x48: {  	_ =	shalt  }
0x49: {  	_ =	shalt  }
0x4a: {  	_ =	shalt  }
0x4b: {  	_ =	shalt  }
0x4c: {  	_ =	shalt  }
0x4d: {  	_ =	shalt  }
0x4e: {  	_ =	shalt  }
0x4f: {  	_ =	shalt  }
0x50: {  	_ =	shalt  }
0x51: {  	_ =	shalt  }
0x52: {  	_ =	shalt  }
0x53: {  	_ =	shalt  }
0x54: {  	_ =	shalt  }
0x55: {  	_ =	shalt  }
0x56: {  	_ =	shalt  }
0x57: {  	_ =	shalt  }
0x58: {  	_ =	shalt  }
0x59: {  	_ =	shalt  }
0x5a: {  	_ =	shalt  }
0x5b: {  	_ =	shalt  }
0x5c: {  	_ =	shalt  }
0x5d: {  	_ =	shalt  }
0x5e: {  	_ =	shalt  }
0x5f: {  	_ =	shalt  }
0x60: {  	_ =	shalt  }
0x61: {  	_ =	shalt  }
0x62: {  	_ =	shalt  }
0x63: {  	_ =	shalt  }
0x64: {  	_ =	shalt  }
0x65: {  	_ =	shalt  }
0x66: {  	_ =	shalt  }
0x67: {  	_ =	shalt  }
0x68: {  	_ =	shalt  }
0x69: {  	_ =	shalt  }
0x6a: {  	_ =	shalt  }
0x6b: {  	_ =	shalt  }
0x6c: {  	_ =	shalt  }
0x6d: {  	_ =	shalt  }
0x6e: {  	_ =	shalt  }
0x6f: {  	_ =	shalt  }
0x70: {  	_ =	shalt  }
0x71: {  	_ =	shalt  }
0x72: {  	_ =	shalt  }
0x73: {  	_ =	shalt  }
0x74: {  	_ =	shalt  }
0x75: {  	_ =	shalt  }
0x76: {  	_ =	shalt  }
0x77: {  	_ =	shalt  }
0x78: {  	_ =	shalt  }
0x79: {  	_ =	shalt  }
0x7a: {  	_ =	shalt  }
0x7b: {  	_ =	shalt  }
0x7c: {  	_ =	shalt  }
0x7d: {  	_ =	shalt  }
0x7e: {  	_ =	shalt  }
0x7f: {  	_ =	shalt  }
0x80: {  	_ =	shalt  }
0x81: {  	_ =	shalt  }
0x82: {  	_ =	shalt  }
0x83: {  	_ =	shalt  }
0x84: {  	_ =	shalt  }
0x85: {  	_ =	shalt  }
0x86: {  	_ =	shalt  }
0x87: {  	_ =	shalt  }
.Lfunc_end0:
.L_simem_size_0:
called_computation.2_lowered:
.L_overlay_start_0:
0x88: {  	s2 =	sld [smem:$0x3FD9]  }
0x89: {  	s3 =	sld [smem:$0x3FFE];
	_ =	sdelay $0x1  }
0x8a: {  	s1 =	srdreg.scid  }
0x8b: {  	s0 =	sand.u32 $0x1, s1  }
0x8c: {  	s17 =	sshll.u32 s0, $0xA;
	s2 =	sadd.s32 s3, s2  }
0x8d: {  	s2 =	sadd.s32 s2, s17  }
0x8e: {  	[smem:$0x3FC6] =	sst s2  }
0x8f: {  	_ = 	snop  }
0x90: {  	s2 =	sld [smem:$0x3FD0];
	(tm) =	ssettm $0x1  }
0x91: {  	s18 =	sld [smem:$0x3FFB];
	_ =	sdelay $0x3  }
0x92: {  	_ =	strace s18  }
0x93: {  	s3 =	sld [smem:$0x3FFC];
	_ =	sdelay $0x3  }
0x94: {  	_ =	strace s3  }
0x95: {  	s3 =	sld [smem:$0x3FFD];
	_ =	sdelay $0x3  }
0x96: {  	_ =	strace s3  }
0x97: {  	_ =	strace $0x8FFFFFFF  }
0x98: {  	s19 =	sld [smem:$0x3FDB];
	_ =	sdelay $0x1  }
0x99: {  	s4 =	simm.s32 $_scs_section_size  }
0x9a: {  	s5 =	simm.s32 $_size__tile_overlayer_lowered;
	s6 =	simm.s32 $_tile_overlayer_lowered  }
0x9b: {  	s22 =	simm.s32 $0x1BFF;
	s21 =	sshll.u32 s6, $0x1;
	s3 =	sadd.s32 s4, s19  }
0x9c: {  	s7 =	simm.s32 $0x0;
	s20 =	sshll.u32 s5, $0x1;
	s5 =	sadd.s32 s21, s3  }
0x9d: {  	[timem:s7], [sflag:s22] =	dma.local [hbm:s5], s20  }
0x9e: {  	_ =	swait.ge [sflag:s22], s20  }
0x9f: {  	s4 =	ssub.s32 $0x0, s20;
	[sflag:s22] =	ssyncset.done $0x0  }
0xa0: {  	[sflag:s22] =	ssyncadd.s32 s4;
	_ =	sdelay $0x1  }
0xa1: {  	s23 =	simm.s32 $0x1B8B  }
0xa2: {  	_ =	swait.ge [sflag:s23], $0x1  }
0xa3: {  	[sflag:s23] =	ssyncset.done $0x0  }
0xa4: {  	s25 =	simm.s32 $0x1B8E;
	s24 =	sld [smem:$0x3FFE];
	[sflag:s23] =	ssyncadd.s32 $0xFFFFFFFF  }
0xa5: {  	s26 =	simm.s32 $execute0_lowered;
	[smem:$0x3FD2] =	sst s25  }
0xa6: {  	s5 =	sshll.u32 s26, $0x1;
	_ =	strace $0x80000049;
	[dreg:$0x1] =	wrdreg $0xFFFFFFFF  }
0xa7: {  	s28 =	simm.s32 $_size_execute0_lowered;
	s3 =	sadd.s32 s3, s5;
	[dreg:$0x0] =	wrdreg $0x0  }
0xa8: {  	s5 =	sshll.u32 s28, $0x1;
	[dreg:$0x2] =	wrdreg s3  }
0xa9: {  	[dreg:$0x3] =	wrdreg s5  }
0xaa: {  	[dreg:$0x4] =	wrdreg $0xC0  }
0xab: {  	_ =	task [dreg:s7], $0x5FFFF  }
0xac: {  	[dreg:$0x1] =	wrdreg $0xFFFFFFFF  }
0xad: {  	[dreg:$0x0] =	wrdreg $0x60  }
0xae: {  	[dreg:$0x2] =	wrdreg s24  }
0xaf: {  	[dreg:$0x3] =	wrdreg s2  }
0xb0: {  	[dreg:$0x4] =	wrdreg $0x0  }
0xb1: {  	[dreg:$0x5] =	wrdreg $0x104000  }
0xb2: {  	[dreg:$0x6] =	wrdreg $0x9  }
0xb3: {  	_ =	task.clear_ibuf [dreg:s7], $0x7FFFF;
	_ =	strace $0x90000049  }
0xb4: {  	s29 =	simm.s32 $0x9;
	_ =	strace $0x8000004B  }
0xb5: {  	_ =	swait.ge [sflag:s29], $0x1  }
0xb6: {  	[sflag:s29] =	ssyncadd.s32 $0xFFFFFFFF  }
0xb7: {  	_ =	strace $0x9000004B  }
0xb8: {  	_ =	sfence  }
0xb9: {  	s30 =	sld [smem:$0x0];
	_ =	sdelay $0x2  }
0xba: {  	s31 =	sshll.u32 s1, $0xD;
	s1 =	sshrl.u32 s1, $0x2  }
0xbb: {  	s3 =	sand.u32 $0x4000, s31;
	s1 =	sadd.s32 s1, s30  }
0xbc: {  	s0 =	sor.u32 s3, s0;
	s1 =	sshll.u32 s1, $0x11  }
0xbd: {  	s0 =	sor.u32 s1, s0  }
0xbe: {  	s0 =	sadd.s32 $0x8F2B, s0  }
0xbf: {  	[sflag:s0] =	ssyncadd.remote.s32 $0x1  }
0xc0: {  	_ =	sfence.sel $0xFFFF  }
0xc1: {  	[dreg:$0x0] =	wrdreg $0xFFFFFFFF;
	(pc) =	sbr.abs _section_cstart, $3  }
0xc2: {  	[dreg:$0x1] =	wrdreg $0xFFFFFFFF  }
0xc3: {  	_ =	task.clear_ibuf [dreg:s7], $0x2FFFF;
	_ =	strace $0x9FFFFFFF  }
0xc4: {  	(tm) =	ssettm $0x7FFFFFFF  }
0xc5: {  	_ =	shalt  }
tec
execute0_lowered:
.L_overlay_start_1:
0x0: {  	(tag) =	ssettag $0x1  }
0x1: {  	s0 =	rddreg [dreg:$0x0]  }
0x2: {  	s1 =	rddreg [dreg:$0x1]  }
0x3: {  	s3 =	rddreg [dreg:$0x2]  }
0x4: {  	s4 =	rddreg [dreg:$0x3]  }
0x5: {  	s2 =	srdreg.scid;
	s20 =	stileid.u32  }
0x6: {  	s5 =	simm.s32 $0x0;
	s28 =	simm.s32 $0x5;
	s6 =	smul.u32 $0x10400, s20  }
0x7: {  	s29 =	simm.s32 $0x1CF20;
	s30 =	simm.s32 $0x14500;
	s8 =	smul.u32 $0x4100, s20  }
0x8: {  	s31 =	simm.s32 $0x14610;
	s2 =	sand.u32 $0x1, s2;
	s15 =	smul.u32 $0x410, s20  }
0x9: {  	[smem:$0x7FF] =	sst s5;
	s10 =	sadd.s32 $0x13A00, s0;
	s23 =	smul.u32 $0x880, s20  }
0xa: {  	s17 =	sadd.s32 $0x2800, s0;
	s12 =	sshll.u32 s20, $0x1;
	s20 =	smul.u32 $0x4200, s20  }
0xb: {  	s7 =	smul.u32 $0x104000, s2;
	_ =	strace $0x8000004A;
	[dreg:$0x5] =	wrdreg s10  }
0xc: {  	s18 =	sadd.s32 $0x2400, s0;
	s9 =	smul.u32 $0x41000, s2;
	[dreg:$0x6] =	wrdreg s17  }
0xd: {  	s11 =	sadd.s32 $0xB200, s0;
	[dreg:$0x7] =	wrdreg s18;
	s25 =	smul.u32 $0x440, s2  }
0xe: {  	s19 =	ssub.s32 $0x2, s2;
	s12 =	sor.u32 s2, s12;
	s2 =	smul.u32 $0x2100, s2  }
0xf: {  	s13 =	sshrl.u32 s19, $0x1;
	s21 =	sshll.u32 s12, $0x5;
	s16 =	smul.u32 $0x440, s12  }
0x10: {  	s14 =	sadd.s32 $0x110, s15;
	s10 =	sadd.s32 s8, s4;
	s12 =	smul.u32 $0x10800, s12  }
0x11: {  	s7 =	sadd.s32 s6, s7;
	s9 =	sadd.s32 s8, s9;
	s13 =	ssub.s32 s19, s13  }
0x12: {  	s18 =	sor.u32 $0x1, s21;
	s22 =	sshll.u32 s14, $0x6;
	s24 =	sshll.u32 s14, $0x4  }
0x13: {  	s19 =	sadd.s32 $0x220, s15;
	s7 =	sshrl.u32 s7, $0x3;
	s9 =	sshrl.u32 s9, $0x3  }
0x14: {  	s17 =	smul.u32 $0x22, s18;
	s16 =	sadd.s32 s11, s16;
	s8 =	sadd.s32 s24, s4  }
0x15: {  	s7 =	sadd.s32 s7, s0;
	s0 =	sadd.s32 s9, s0;
	[dreg:$0x9] =	wrdreg s16  }
0x16: {  	s9 =	sadd.s32 s6, s3;
	s6 =	sadd.s32 s22, s3;
	[dreg:$0xb] =	wrdreg s8  }
0x17: {  	s22 =	sshll.u32 s19, $0x4;
	[dreg:$0x8] =	wrdreg s6;
	s26 =	sadd.s32 s11, s17  }
0x18: {  	s6 =	sadd.s32 s23, s11;
	s17 =	sshll.u32 s19, $0x6;
	s23 =	sadd.s32 $0x300, s15  }
0x19: {  	s8 =	sadd.s32 s22, s4;
	s11 =	simm.s32 $0x4;
	[dreg:$0xa] =	wrdreg s26  }
0x1a: {  	s14 =	sadd.s32 s25, s6;
	s21 =	sadd.s32 s17, s3;
	s17 =	sadd.s32 s2, s20  }
0x1b: {  	s24 =	sshll.u32 s23, $0x6;
	s25 =	smul.u32 $0x840, s18;
	[dreg:$0xd] =	wrdreg s8  }
0x1c: {  	s26 =	sshll.u32 s23, $0x4;
	s23 =	sadd.s32 $0x14400, s7;
	s6 =	simm.s32 $0x2  }
0x1d: {  	s7 =	simm.s32 $0x110;
	s8 =	simm.s32 $0x3;
	[dreg:$0xc] =	wrdreg s21  }
0x1e: {  	s2 =	sadd.s32 s24, s3;
	s21 =	sadd.s32 s1, s12;
	s24 =	sadd.s32 $0x55400, s0  }
0x1f: {  	s0 =	simm.s32 $0x18B20;
	s12 =	simm.s32 $0x0;
	[dreg:$0xe] =	wrdreg s2  }
0x20: {  	s2 =	sadd.s32 s26, s4;
	s22 =	sadd.s32 s1, s25;
	s25 =	smax.u32 s13, $0x1  }
0x21: {  	s26 =	simm.s32 $0x14720;
	[dreg:$0xf] =	wrdreg s2;
	s2 =	simm.s32 $0x1  }
.LBB2_1:
0x22: {  	s13 =	rddreg [dreg:$0x5]  }
0x23: {  	[tilespmem:s26], [sflag:$0x5] =	stream.linear.gather [hbm4b:s13+s5], $0x4400, $0x38;
	[tilespmem:$0x1E020] =	vst v63  }
0x24: {  	_ =	swait.ge [sflag:s28], $0x4400  }
0x25: {  	[sflag:s28] =	ssyncset.done $0x0  }
0x26: {  	s19 =	rddreg [dreg:$0x6];
	[sflag:s28] =	ssyncadd.s32 $0xFFFFBC00  }
0x27: {  	[tilespmem:s29], [sflag:$0x5] =	stream.linear.gather [hbm4b:s19+s5], $0x1100, $0x38;
	[tilespmem:$0x1E020] =	vst v63  }
0x28: {  	_ =	swait.ge [sflag:s28], $0x1100  }
0x29: {  	[sflag:s28] =	ssyncset.done $0x0  }
0x2a: {  	[sflag:s28] =	ssyncadd.s32 $0xFFFFEF00  }
0x2b: {  	[spmem:s9] =	stream.linear.scatter [tilespmem:s26], [sflag:$0x5], $0x4400, $0x38;
	[tilespmem:$0x1E020] =	vst v63  }
0x2c: {  	_ =	swait.ge [sflag:s28], $0x4400  }
0x2d: {  	[sflag:s28] =	ssyncset.done $0x0  }
0x2e: {  	[sflag:s28] =	ssyncadd.s32 $0xFFFFBC00  }
0x2f: {  	[spmem:s10] =	stream.linear.scatter [tilespmem:s29], [sflag:$0x5], $0x1100, $0x38;
	[tilespmem:$0x1E020] =	vst v63  }
0x30: {  	_ =	swait.ge [sflag:s28], $0x1100  }
0x31: {  	[sflag:s28] =	ssyncset.done $0x0  }
0x32: {  	s20 =	rddreg [dreg:$0x8];
	[sflag:s28] =	ssyncadd.s32 $0xFFFFEF00  }
0x33: {  	[spmem:s20] =	stream.linear.scatter [tilespmem:s26], [sflag:$0x5], $0x4400, $0x38;
	[tilespmem:$0x1E020] =	vst v63  }
0x34: {  	_ =	swait.ge [sflag:s28], $0x4400  }
0x35: {  	[sflag:s28] =	ssyncset.done $0x0  }
0x36: {  	s15 =	rddreg [dreg:$0xb];
	[sflag:s28] =	ssyncadd.s32 $0xFFFFBC00  }
0x37: {  	[spmem:s15] =	stream.linear.scatter [tilespmem:s29], [sflag:$0x5], $0x1100, $0x38;
	[tilespmem:$0x1E020] =	vst v63  }
0x38: {  	_ =	swait.ge [sflag:s28], $0x1100  }
0x39: {  	[sflag:s28] =	ssyncset.done $0x0  }
0x3a: {  	s16 =	rddreg [dreg:$0xc];
	[sflag:s28] =	ssyncadd.s32 $0xFFFFEF00  }
0x3b: {  	[spmem:s16] =	stream.linear.scatter [tilespmem:s26], [sflag:$0x5], $0x4400, $0x38;
	[tilespmem:$0x1E020] =	vst v63  }
0x3c: {  	_ =	swait.ge [sflag:s28], $0x4400  }
0x3d: {  	[sflag:s28] =	ssyncset.done $0x0  }
0x3e: {  	s18 =	rddreg [dreg:$0xd];
	[sflag:s28] =	ssyncadd.s32 $0xFFFFBC00  }
0x3f: {  	[spmem:s18] =	stream.linear.scatter [tilespmem:s29], [sflag:$0x5], $0x1100, $0x38;
	[tilespmem:$0x1E020] =	vst v63  }
0x40: {  	_ =	swait.ge [sflag:s28], $0x1100  }
0x41: {  	[sflag:s28] =	ssyncset.done $0x0  }
0x42: {  	s19 =	rddreg [dreg:$0xe];
	[sflag:s28] =	ssyncadd.s32 $0xFFFFEF00  }
0x43: {  	[spmem:s19] =	stream.linear.scatter [tilespmem:s26], [sflag:$0x5], $0x4400, $0x38;
	[tilespmem:$0x1E020] =	vst v63  }
0x44: {  	_ =	swait.ge [sflag:s28], $0x4400  }
0x45: {  	[sflag:s28] =	ssyncset.done $0x0  }
0x46: {  	s20 =	rddreg [dreg:$0xf];
	[sflag:s28] =	ssyncadd.s32 $0xFFFFBC00  }
0x47: {  	[spmem:s20] =	stream.linear.scatter [tilespmem:s29], [sflag:$0x5], $0x1100, $0x38;
	[tilespmem:$0x1E020] =	vst v63  }
0x48: {  	_ =	swait.ge [sflag:s28], $0x1100  }
0x49: {  	[sflag:s28] =	ssyncset.done $0x0  }
0x4a: {  	s15 =	rddreg [dreg:$0x7];
	[sflag:s28] =	ssyncadd.s32 $0xFFFFEF00  }
0x4b: {  	[tilespmem:s29], [sflag:$0x5] =	stream.linear.gather [hbm4b:s15+s5], $0x1100, $0x38;
	[tilespmem:$0x1E020] =	vst v63  }
0x4c: {  	_ =	swait.ge [sflag:s28], $0x1100  }
0x4d: {  	[sflag:s28] =	ssyncset.done $0x0  }
0x4e: {  	[sflag:s28] =	ssyncadd.s32 $0xFFFFEF00  }
0x4f: {  	[bflag:$0x0] =	sbarrier.arrive $0xFFFF  }
0x50: {  	s16 =	rddreg [dreg:$0x9]  }
0x51: {  	[tilespmem:s30], [sflag:$0x1] =	stream.linear.gather [hbm4b:s16+s5], $0x110, $0x38;
	[tilespmem:$0x1E020] =	vst v63  }
0x52: {  	_ = 	snop  }
0x53: {  	[tilespmem:s26], [sflag:$0x2] =	stream.linear.gather [hbm4b:s21+s5], $0x42C0, $0x38;
	[tilespmem:$0x1E020] =	vst v63  }
0x54: {  	s18 =	rddreg [dreg:$0xa]  }
0x55: {  	[tilespmem:s31], [sflag:$0x3] =	stream.linear.gather [hbm4b:s18+s5], $0x110, $0x38;
	[tilespmem:$0x1E020] =	vst v63  }
0x56: {  	_ = 	snop  }
0x57: {  	[tilespmem:s0], [sflag:$0x4] =	stream.linear.gather [hbm4b:s22+s5], $0x42C0, $0x38;
	[tilespmem:$0x1E020] =	vst v63  }
0x58: {  	_ =	swait.ge [sflag:s2], $0x110  }
0x59: {  	[sflag:s2] =	ssyncset.done $0x0  }
0x5a: {  	[sflag:s2] =	ssyncadd.s32 $0xFFFFFEF0  }
0x5b: {  	_ =	swait.ge [sflag:s6], $0x42C0  }
0x5c: {  	[sflag:s6] =	ssyncset.done $0x0  }
0x5d: {  	[sflag:s6] =	ssyncadd.s32 $0xFFFFBD40  }
0x5e: {  	[spmem:s3] =	stream.indirect.scatter.add.f32 [tilespmem:s26], [sflag:$0x5], $0x40, s30, s7, $0xb8;
	[tilespmem:$0x1E020] =	vst v63  }
0x5f: {  	_ =	swait.ge [sflag:s28], $0x4400  }
0x60: {  	[sflag:s28] =	ssyncset.done $0x0  }
0x61: {  	[sflag:s28] =	ssyncadd.s32 $0xFFFFBC00  }
0x62: {  	[spmem:s4] =	stream.indirect.scatter.add.f32 [tilespmem:s29], [sflag:$0x5], $0x10, s30, s7, $0xb8;
	[tilespmem:$0x1E020] =	vst v63  }
0x63: {  	_ =	swait.ge [sflag:s28], $0x1100  }
0x64: {  	s13 =	sadd.s32 $0x210, s17;
	s15 =	sadd.s32 $0x0, s14;
	[sflag:s28] =	ssyncset.done $0x0  }
0x65: {  	s19 =	smin.u32 s13, $0x41788;
	s16 =	sadd.s32 $0x44, s15;
	[sflag:s28] =	ssyncadd.s32 $0xFFFFEF00  }
0x66: {  	[tilespmem:s30], [sflag:$0x1] =	stream.linear.gather [hbm4b:s16+s5], $0x110, $0x38;
	[tilespmem:$0x1E020] =	vst v63  }
0x67: {  	s16 =	sshll.u32 s19, $0x3  }
0x68: {  	s16 =	sadd.s32 s1, s16  }
0x69: {  	[tilespmem:s26], [sflag:$0x2] =	stream.linear.gather [hbm4b:s16+s5], $0x42C0, $0x38;
	[tilespmem:$0x1E020] =	vst v63  }
0x6a: {  	_ =	swait.ge [sflag:s8], $0x110  }
0x6b: {  	[sflag:s8] =	ssyncset.done $0x0  }
0x6c: {  	[sflag:s8] =	ssyncadd.s32 $0xFFFFFEF0  }
0x6d: {  	_ =	swait.ge [sflag:s11], $0x42C0  }
0x6e: {  	[sflag:s11] =	ssyncset.done $0x0  }
0x6f: {  	[sflag:s11] =	ssyncadd.s32 $0xFFFFBD40  }
0x70: {  	[spmem:s3] =	stream.indirect.scatter.add.f32 [tilespmem:s0], [sflag:$0x5], $0x40, s31, s7, $0xb8;
	[tilespmem:$0x1E020] =	vst v63  }
0x71: {  	_ =	swait.ge [sflag:s28], $0x4400  }
0x72: {  	[sflag:s28] =	ssyncset.done $0x0  }
0x73: {  	[sflag:s28] =	ssyncadd.s32 $0xFFFFBC00  }
0x74: {  	[spmem:s4] =	stream.indirect.scatter.add.f32 [tilespmem:s29], [sflag:$0x5], $0x10, s31, s7, $0xb8;
	[tilespmem:$0x1E020] =	vst v63  }
0x75: {  	_ =	swait.ge [sflag:s28], $0x1100  }
0x76: {  	s20 =	sadd.s32 $0x318, s17;
	[sflag:s28] =	ssyncset.done $0x0  }
0x77: {  	s15 =	sadd.s32 $0x66, s15;
	s16 =	smin.u32 s20, $0x41788;
	[sflag:s28] =	ssyncadd.s32 $0xFFFFEF00  }
0x78: {  	[tilespmem:s31], [sflag:$0x3] =	stream.linear.gather [hbm4b:s15+s5], $0x110, $0x38;
	[tilespmem:$0x1E020] =	vst v63  }
0x79: {  	s16 =	sshll.u32 s16, $0x3;
	s15 =	simm.s32 $0x44  }
.LBB2_2:
0x7a: {  	p0 =	sne.s32 s15, $0x3B8;
	s18 =	sadd.s32 s1, s16  }
0x7b: {  	s19 =	smov.u32 s15;
	s15 =	sadd.s32 $0x44, s15;
	s16 =	smov.u32 s13  }
0x7c: {  	[tilespmem:s0], [sflag:$0x4] =	stream.linear.gather [hbm4b:s18+s5], $0x42C0, $0x38;
	[tilespmem:$0x1E020] =	vst v63  }
0x7d: {  	_ =	swait.ge [sflag:s2], $0x110  }
0x7e: {  	[sflag:s2] =	ssyncset.done $0x0  }
0x7f: {  	[sflag:s2] =	ssyncadd.s32 $0xFFFFFEF0  }
0x80: {  	_ =	swait.ge [sflag:s6], $0x42C0  }
0x81: {  	[sflag:s6] =	ssyncset.done $0x0  }
0x82: {  	[sflag:s6] =	ssyncadd.s32 $0xFFFFBD40  }
0x83: {  	[spmem:s3] =	stream.indirect.scatter.add.f32 [tilespmem:s26], [sflag:$0x5], $0x40, s30, s7, $0xb8;
	[tilespmem:$0x1E020] =	vst v63  }
0x84: {  	_ =	swait.ge [sflag:s28], $0x4400  }
0x85: {  	[sflag:s28] =	ssyncset.done $0x0  }
0x86: {  	[sflag:s28] =	ssyncadd.s32 $0xFFFFBC00  }
0x87: {  	[spmem:s4] =	stream.indirect.scatter.add.f32 [tilespmem:s29], [sflag:$0x5], $0x10, s30, s7, $0xb8;
	[tilespmem:$0x1E020] =	vst v63  }
0x88: {  	_ =	swait.ge [sflag:s28], $0x1100  }
0x89: {  	s13 =	sadd.s32 $0x210, s13;
	s18 =	sadd.s32 s19, s14;
	[sflag:s28] =	ssyncset.done $0x0  }
0x8a: {  	s19 =	smin.u32 s13, $0x41788;
	s20 =	sadd.s32 $0x44, s18;
	[sflag:s28] =	ssyncadd.s32 $0xFFFFEF00  }
0x8b: {  	[tilespmem:s30], [sflag:$0x1] =	stream.linear.gather [hbm4b:s20+s5], $0x110, $0x38;
	[tilespmem:$0x1E020] =	vst v63  }
0x8c: {  	s19 =	sshll.u32 s19, $0x3  }
0x8d: {  	s19 =	sadd.s32 s1, s19  }
0x8e: {  	[tilespmem:s26], [sflag:$0x2] =	stream.linear.gather [hbm4b:s19+s5], $0x42C0, $0x38;
	[tilespmem:$0x1E020] =	vst v63  }
0x8f: {  	_ =	swait.ge [sflag:s8], $0x110  }
0x90: {  	[sflag:s8] =	ssyncset.done $0x0  }
0x91: {  	[sflag:s8] =	ssyncadd.s32 $0xFFFFFEF0  }
0x92: {  	_ =	swait.ge [sflag:s11], $0x42C0  }
0x93: {  	[sflag:s11] =	ssyncset.done $0x0  }
0x94: {  	[sflag:s11] =	ssyncadd.s32 $0xFFFFBD40  }
0x95: {  	[spmem:s3] =	stream.indirect.scatter.add.f32 [tilespmem:s0], [sflag:$0x5], $0x40, s31, s7, $0xb8;
	[tilespmem:$0x1E020] =	vst v63  }
0x96: {  	_ =	swait.ge [sflag:s28], $0x4400  }
0x97: {  	[sflag:s28] =	ssyncset.done $0x0  }
0x98: {  	[sflag:s28] =	ssyncadd.s32 $0xFFFFBC00  }
0x99: {  	[spmem:s4] =	stream.indirect.scatter.add.f32 [tilespmem:s29], [sflag:$0x5], $0x10, s31, s7, $0xb8;
	[tilespmem:$0x1E020] =	vst v63  }
.Ltmp0:
0x9a: {  	_ = 	snop;
	(pc) =	sbr.rel @p0 .LBB2_2-.Ltmp0, $4  }
0x9b: {  	s16 =	sadd.s32 $0x318, s16;
	_ =	swait.ge [sflag:s28], $0x1100  }
0x9c: {  	s16 =	smin.u32 s16, $0x41788;
	s18 =	sadd.s32 $0x66, s18;
	[sflag:s28] =	ssyncset.done $0x0  }
0x9d: {  	s16 =	sshll.u32 s16, $0x3;
	[sflag:s28] =	ssyncadd.s32 $0xFFFFEF00  }
0x9e: {  	[tilespmem:s31], [sflag:$0x3] =	stream.linear.gather [hbm4b:s18+s5], $0x110, $0x38;
	[tilespmem:$0x1E020] =	vst v63  }
0x9f: {  	s13 =	sadd.s32 s1, s16  }
0xa0: {  	[tilespmem:s0], [sflag:$0x4] =	stream.linear.gather [hbm4b:s13+s5], $0x42C0, $0x38;
	[tilespmem:$0x1E020] =	vst v63  }
0xa1: {  	_ =	swait.ge [sflag:s2], $0x110  }
0xa2: {  	[sflag:s2] =	ssyncset.done $0x0  }
0xa3: {  	[sflag:s2] =	ssyncadd.s32 $0xFFFFFEF0  }
0xa4: {  	_ =	swait.ge [sflag:s6], $0x42C0  }
0xa5: {  	[sflag:s6] =	ssyncset.done $0x0  }
0xa6: {  	[sflag:s6] =	ssyncadd.s32 $0xFFFFBD40  }
0xa7: {  	[spmem:s3] =	stream.indirect.scatter.add.f32 [tilespmem:s26], [sflag:$0x5], $0x40, s30, s7, $0xb8;
	[tilespmem:$0x1E020] =	vst v63  }
0xa8: {  	_ =	swait.ge [sflag:s28], $0x4400  }
0xa9: {  	[sflag:s28] =	ssyncset.done $0x0  }
0xaa: {  	[sflag:s28] =	ssyncadd.s32 $0xFFFFBC00  }
0xab: {  	[spmem:s4] =	stream.indirect.scatter.add.f32 [tilespmem:s29], [sflag:$0x5], $0x10, s30, s7, $0xb8;
	[tilespmem:$0x1E020] =	vst v63  }
0xac: {  	_ =	swait.ge [sflag:s28], $0x1100  }
0xad: {  	[sflag:s28] =	ssyncset.done $0x0  }
0xae: {  	[sflag:s28] =	ssyncadd.s32 $0xFFFFEF00  }
0xaf: {  	_ =	swait.ge [sflag:s8], $0x110  }
0xb0: {  	[sflag:s8] =	ssyncset.done $0x0  }
0xb1: {  	[sflag:s8] =	ssyncadd.s32 $0xFFFFFEF0  }
0xb2: {  	_ =	swait.ge [sflag:s11], $0x42C0  }
0xb3: {  	[sflag:s11] =	ssyncset.done $0x0  }
0xb4: {  	[sflag:s11] =	ssyncadd.s32 $0xFFFFBD40  }
0xb5: {  	[spmem:s3] =	stream.indirect.scatter.add.f32 [tilespmem:s0], [sflag:$0x5], $0x40, s31, s7, $0xb8;
	[tilespmem:$0x1E020] =	vst v63  }
0xb6: {  	_ =	swait.ge [sflag:s28], $0x4400  }
0xb7: {  	[sflag:s28] =	ssyncset.done $0x0  }
0xb8: {  	[sflag:s28] =	ssyncadd.s32 $0xFFFFBC00  }
0xb9: {  	[spmem:s4] =	stream.indirect.scatter.add.f32 [tilespmem:s29], [sflag:$0x5], $0x10, s31, s7, $0xb8;
	[tilespmem:$0x1E020] =	vst v63  }
0xba: {  	_ =	swait.ge [sflag:s28], $0x1100  }
0xbb: {  	s19 =	stileid.u32;
	[sflag:s28] =	ssyncset.done $0x0  }
0xbc: {  	s13 =	sshll.u32 s19, $0x6;
	[sflag:s28] =	ssyncadd.s32 $0xFFFFEF00  }
0xbd: {  	s15 =	sshrl.u32 s9, $0x3;
	s13 =	sor.u32 $0x1C05, s13;
	[bflag:$0x0] =	sbarrier.arrive $0xFFFF  }
0xbe: {  	[hbm:s23], [sflag:s13] =	dma.local [spmem:s15], $0x2080  }
0xbf: {  	s12 =	sadd.s32 $0x1, s12;
	_ =	swait.ge [sflag:s28], $0x2080  }
0xc0: {  	p0 =	sne.s32 s12, s25;
	[sflag:s28] =	ssyncset.done $0x0  }
.Ltmp1:
0xc1: {  	s20 =	sshrl.u32 s10, $0x3;
	[sflag:s28] =	ssyncadd.s32 $0xFFFFDF80;
	(pc) =	sbr.rel @p0 .LBB2_1-.Ltmp1, $4  }
0xc2: {  	[hbm:s24], [sflag:s13] =	dma.local [spmem:s20], $0x820  }
0xc3: {  	_ =	swait.ge [sflag:s28], $0x820  }
0xc4: {  	[sflag:s28] =	ssyncset.done $0x0  }
0xc5: {  	[sflag:s28] =	ssyncadd.s32 $0xFFFFF7E0  }
0xc6: {  	_ =	sfence.sel $0x180000  }
0xc7: {  	[bflag:$0x0] =	sbarrier.arrive $0xFFFF  }
0xc8: {  	_ =	strace $0x9000004A  }
0xc9: {  	s0 =	stileid.u32;
	[bflag:$0x2] =	sbarrier.arrive $0xFFFF  }
0xca: {  	p0 =	sne.s32 s0, $0x0;
	s0 =	rddreg [dreg:$0x4]  }
0xcb: {  	s0 =	sadd.s32 @!p0 $0x100000, s0  }
0xcc: {  	[sflag:s0] =	ssyncadd.tile.s32 @!p0 $0x1;
	_ =	shalt  }
.Lfunc_end2:
_tile_overlayer_lowered:
.L_overlay_start_2:
0xcd: {  	(tag) =	ssettag $0x2  }
0xce: {  	s0 =	rddreg [dreg:$0x0];
	s2 =	stileid.u32  }
0xcf: {  	s1 =	rddreg [dreg:$0x1];
	p0 =	sne.s32 s2, $0x0  }
0xd0: {  	s3 =	rddreg [dreg:$0x2];
	[bflag:$0x3] =	sbarrier.arrive $0xFFFF;
	s2 =	simm.s32 @!p0 $0x1C05  }
0xd1: {  	[timem:s3], [sflag:s2] =	dma.local @!p0 [hbm:s0], s1  }
0xd2: {  	s0 =	simm.s32 @!p0 $0x5  }
0xd3: {  	_ =	swait.ge @!p0 [sflag:s0], s1  }
0xd4: {  	s1 =	ssub.s32 @!p0 $0x0, s1;
	[sflag:s0] =	ssyncset.done @!p0 $0x0  }
0xd5: {  	[sflag:s0] =	ssyncadd.s32 @!p0 s1  }
0xd6: {  	[bflag:$0x3] =	sbarrier.arrive $0xFFFF  }
0xd7: {  	_ =	shalt  }

// kernel: kernel.8.cloned.1.call-start
scs
__scs_entry_jumppad:
0x0: {  	(pc) =	sbr.rel $0x88, $3  }
0x1: {  	(tag) =	ssettag $0x0;
	lr =	simm.s32 $0x1  }
0x2: {  	[smem:$0x3F9F] =	sst lr;
	_ =	strace $0xD0000000  }
0x3: {  	_ = 	snop  }
0x4: {  	_ = 	snop  }
0x5: {  	_ = 	snop  }
0x6: {  	_ = 	snop  }
0x7: {  	_ = 	snop  }
__scs_overlays_trampoline_lowered:
0x8: {  	[smem:$0x3FAE] =	sst s0  }
0x9: {  	[smem:$0x3FAF] =	sst s1  }
0xa: {  	[smem:$0x3FB0] =	sst s2  }
0xb: {  	[smem:$0x3FB1] =	sst s3  }
0xc: {  	[smem:$0x3FB2] =	sst s4  }
0xd: {  	[smem:$0x3FB3] =	sst s5  }
0xe: {  	[smem:$0x3FB4] =	sst s6  }
0xf: {  	[smem:$0x3FB5] =	sst s7  }
0x10: {  	[smem:$0x3FB6] =	sst s8  }
0x11: {  	[smem:$0x3FB7] =	sst s9;
	s0 =	simm.s32 @!p0 $0x0  }
0x12: {  	s1 =	sld [smem:$0x3F9D];
	s0 =	simm.s32 @p0 $0x1  }
0x13: {  	[smem:$0x3FB8] =	sst s0;
	s0 =	simm.s32 @!p1 $0x0  }
0x14: {  	s2 =	sld [smem:$0x3F9C];
	s0 =	simm.s32 @p1 $0x1  }
0x15: {  	[smem:$0x3FB9] =	sst s0;
	s0 =	simm.s32 @!p2 $0x0  }
0x16: {  	s3 =	sld [smem:$0x3FDB];
	s0 =	simm.s32 @p2 $0x1  }
0x17: {  	s4 =	simm.s32 $0x1BF5;
	[smem:$0x3FBB] =	sst s0  }
0x18: {  	s0 =	sld [smem:$0x3F9E];
	_ =	swait.ge [sflag:s4], $0x0  }
0x19: {  	s7 =	sld [smem:$0x3F9F]  }
0x1a: {  	s8 =	sadd.s32 $0xFFFFE003, lr  }
0x1b: {  	s9 =	sadd.s32 $0xFFFFFEF7, lr;
	s5 =	simm.s32 $0xFFFFFFFF;
	p2 =	slt.u32 s8, $0xFFFFF086  }
0x1c: {  	p1 =	slt.u32 s9, $0xF7A;
	s5 =	simm.s32 @!p2 $0x0  }
0x1d: {  	s5 =	simm.s32 @p1 $0x1;
	p0 =	seq.s32 s7, s2  }
0x1e: {  	s7 =	smul.u32 @!p0 $0xF7A, s2;
	p2 =	seq.s32 @!p0 s5, $0x0  }
0x1f: {  	s9 =	smul.u32 $0xF7A, s1;
	s8 =	simm.s32 @!p0 $0x1BF5;
	p2 =	por !p2, p0  }
0x20: {  	[sflag:s8] =	ssyncset.s32 @!p0 $0xFFFFF086;
	s6 =	sadd.s32 @!p0 s3, s7;
	s7 =	simm.s32 @!p0 $0x108  }
0x21: {  	s3 =	sadd.s32 s3, s9;
	s6 =	sadd.s32 @!p0 $0x88, s6;
	s7 =	simm.s32 @p2 $0x1082  }
0x22: {  	[simem:s7], [sflag:s8] =	dma.local @!p0 [hbm:s6], $0xF7A  }
0x23: {  	s9 =	sor.u32 $0xD0000000, s2;
	s6 =	simm.s32 $0x108;
	_ =	swait.ge @!p0 [sflag:s8], $0x0  }
0x24: {  	s3 =	sadd.s32 $0x88, s3;
	s6 =	simm.s32 @!p1 $0x1082;
	[sflag:s4] =	ssyncset.s32 $0xFFFFF086  }
0x25: {  	[simem:s6], [sflag:s4] =	dma.local [hbm:s3], $0xF7A  }
0x26: {  	[smem:$0x3F9F] =	sst s1;
	(tag) =	ssettag s2;
	_ =	strace s9  }
0x27: {  	s1 =	sld [smem:$0x3FAF]  }
0x28: {  	s2 =	sld [smem:$0x3FB0]  }
0x29: {  	s4 =	sld [smem:$0x3FB2]  }
0x2a: {  	p0 =	seq.s32 s5, $0x0;
	s5 =	sld [smem:$0x3FB3]  }
0x2b: {  	s6 =	sld [smem:$0x3FB4]  }
0x2c: {  	s7 =	sld [smem:$0x3FB5]  }
0x2d: {  	s3 =	simm.s32 $0x108;
	s8 =	sld [smem:$0x3FB6]  }
0x2e: {  	s3 =	simm.s32 @!p0 $0x1082;
	s9 =	sld [smem:$0x3FB7]  }
0x2f: {  	lr =	sadd.s32 s0, s3;
	s0 =	sld [smem:$0x3FAE]  }
0x30: {  	s3 =	sld [smem:$0x3FB1]  }
0x31: {  	[smem:$0x3FBA] =	sst s10  }
0x32: {  	s10 =	sld [smem:$0x3FB8];
	_ =	sdelay $0x3  }
0x33: {  	p0 =	seq.s32 s10, $0x1;
	s10 =	sld [smem:$0x3FBA];
	_ =	sdelay $0x3  }
0x34: {  	[smem:$0x3FBA] =	sst s10  }
0x35: {  	s10 =	sld [smem:$0x3FB9];
	_ =	sdelay $0x3  }
0x36: {  	p1 =	seq.s32 s10, $0x1;
	s10 =	sld [smem:$0x3FBA];
	_ =	sdelay $0x3  }
0x37: {  	[smem:$0x3FBA] =	sst s10  }
0x38: {  	s10 =	sld [smem:$0x3FBB]  }
0x39: {  	_ = 	snop;
	(pc) =	sbr.ind lr, $3  }
0x3a: {  	_ = 	snop  }
0x3b: {  	_ = 	snop  }
0x3c: {  	p2 =	seq.s32 s10, $0x1;
	s10 =	sld [smem:$0x3FBA]  }
0x3d: {  	_ =	shalt  }
0x3e: {  	_ =	shalt  }
0x3f: {  	_ =	shalt  }
0x40: {  	_ =	shalt  }
0x41: {  	_ =	shalt  }
0x42: {  	_ =	shalt  }
0x43: {  	_ =	shalt  }
0x44: {  	_ =	shalt  }
0x45: {  	_ =	shalt  }
0x46: {  	_ =	shalt  }
0x47: {  	_ =	shalt  }
0x48: {  	_ =	shalt  }
0x49: {  	_ =	shalt  }
0x4a: {  	_ =	shalt  }
0x4b: {  	_ =	shalt  }
0x4c: {  	_ =	shalt  }
0x4d: {  	_ =	shalt  }
0x4e: {  	_ =	shalt  }
0x4f: {  	_ =	shalt  }
0x50: {  	_ =	shalt  }
0x51: {  	_ =	shalt  }
0x52: {  	_ =	shalt  }
0x53: {  	_ =	shalt  }
0x54: {  	_ =	shalt  }
0x55: {  	_ =	shalt  }
0x56: {  	_ =	shalt  }
0x57: {  	_ =	shalt  }
0x58: {  	_ =	shalt  }
0x59: {  	_ =	shalt  }
0x5a: {  	_ =	shalt  }
0x5b: {  	_ =	shalt  }
0x5c: {  	_ =	shalt  }
0x5d: {  	_ =	shalt  }
0x5e: {  	_ =	shalt  }
0x5f: {  	_ =	shalt  }
0x60: {  	_ =	shalt  }
0x61: {  	_ =	shalt  }
0x62: {  	_ =	shalt  }
0x63: {  	_ =	shalt  }
0x64: {  	_ =	shalt  }
0x65: {  	_ =	shalt  }
0x66: {  	_ =	shalt  }
0x67: {  	_ =	shalt  }
0x68: {  	_ =	shalt  }
0x69: {  	_ =	shalt  }
0x6a: {  	_ =	shalt  }
0x6b: {  	_ =	shalt  }
0x6c: {  	_ =	shalt  }
0x6d: {  	_ =	shalt  }
0x6e: {  	_ =	shalt  }
0x6f: {  	_ =	shalt  }
0x70: {  	_ =	shalt  }
0x71: {  	_ =	shalt  }
0x72: {  	_ =	shalt  }
0x73: {  	_ =	shalt  }
0x74: {  	_ =	shalt  }
0x75: {  	_ =	shalt  }
0x76: {  	_ =	shalt  }
0x77: {  	_ =	shalt  }
0x78: {  	_ =	shalt  }
0x79: {  	_ =	shalt  }
0x7a: {  	_ =	shalt  }
0x7b: {  	_ =	shalt  }
0x7c: {  	_ =	shalt  }
0x7d: {  	_ =	shalt  }
0x7e: {  	_ =	shalt  }
0x7f: {  	_ =	shalt  }
0x80: {  	_ =	shalt  }
0x81: {  	_ =	shalt  }
0x82: {  	_ =	shalt  }
0x83: {  	_ =	shalt  }
0x84: {  	_ =	shalt  }
0x85: {  	_ =	shalt  }
0x86: {  	_ =	shalt  }
0x87: {  	_ =	shalt  }
.Lfunc_end0:
.L_simem_size_0:
called_computation.3_lowered:
.L_overlay_start_0:
0x88: {  	s2 =	sld [smem:$0x3FD9]  }
0x89: {  	s3 =	sld [smem:$0x3FFE];
	_ =	sdelay $0x1  }
0x8a: {  	s1 =	srdreg.scid  }
0x8b: {  	s0 =	sand.u32 $0x1, s1  }
0x8c: {  	s16 =	sshll.u32 s0, $0xA;
	s2 =	sadd.s32 s3, s2  }
0x8d: {  	s2 =	sadd.s32 s2, s16  }
0x8e: {  	[smem:$0x3FC6] =	sst s2  }
0x8f: {  	_ = 	snop  }
0x90: {  	(tm) =	ssettm $0x1  }
0x91: {  	s17 =	sld [smem:$0x3FFB];
	_ =	sdelay $0x3  }
0x92: {  	_ =	strace s17  }
0x93: {  	s2 =	sld [smem:$0x3FFC];
	_ =	sdelay $0x3  }
0x94: {  	_ =	strace s2  }
0x95: {  	s2 =	sld [smem:$0x3FFD];
	_ =	sdelay $0x3  }
0x96: {  	_ =	strace s2  }
0x97: {  	_ =	strace $0x8FFFFFFF  }
0x98: {  	s18 =	sld [smem:$0x3FDB];
	_ =	sdelay $0x1  }
0x99: {  	s19 =	simm.s32 $_scs_section_size  }
0x9a: {  	s4 =	simm.s32 $_size__tile_overlayer_lowered;
	s5 =	simm.s32 $_tile_overlayer_lowered  }
0x9b: {  	s22 =	simm.s32 $0x1BFF;
	s21 =	sshll.u32 s5, $0x1;
	s2 =	sadd.s32 s19, s18  }
0x9c: {  	s6 =	simm.s32 $0x0;
	s20 =	sshll.u32 s4, $0x1;
	s4 =	sadd.s32 s21, s2  }
0x9d: {  	[timem:s6], [sflag:s22] =	dma.local [hbm:s4], s20  }
0x9e: {  	_ =	swait.ge [sflag:s22], s20  }
0x9f: {  	s3 =	ssub.s32 $0x0, s20;
	[sflag:s22] =	ssyncset.done $0x0  }
0xa0: {  	[sflag:s22] =	ssyncadd.s32 s3;
	_ =	sdelay $0x1  }
0xa1: {  	s23 =	simm.s32 $0x1B8B  }
0xa2: {  	_ =	swait.ge [sflag:s23], $0x1  }
0xa3: {  	[sflag:s23] =	ssyncset.done $0x0  }
0xa4: {  	s25 =	simm.s32 $0x1B8E;
	s24 =	sld [smem:$0x3FFE];
	[sflag:s23] =	ssyncadd.s32 $0xFFFFFFFF  }
0xa5: {  	s26 =	simm.s32 $execute0_lowered;
	[smem:$0x3FD2] =	sst s25  }
0xa6: {  	s4 =	sshll.u32 s26, $0x1;
	_ =	strace $0x8000004C;
	[dreg:$0x1] =	wrdreg $0xFFFFFFFF  }
0xa7: {  	s28 =	simm.s32 $_size_execute0_lowered;
	s2 =	sadd.s32 s2, s4;
	[dreg:$0x0] =	wrdreg $0x0  }
0xa8: {  	s4 =	sshll.u32 s28, $0x1;
	[dreg:$0x2] =	wrdreg s2  }
0xa9: {  	[dreg:$0x3] =	wrdreg s4  }
0xaa: {  	[dreg:$0x4] =	wrdreg $0xC0  }
0xab: {  	_ =	task [dreg:s6], $0x5FFFF  }
0xac: {  	[dreg:$0x1] =	wrdreg $0xFFFFFFFF  }
0xad: {  	[dreg:$0x0] =	wrdreg $0x60  }
0xae: {  	[dreg:$0x2] =	wrdreg s24  }
0xaf: {  	[dreg:$0x3] =	wrdreg $0x9  }
0xb0: {  	_ =	task.clear_ibuf [dreg:s6], $0x4FFFF;
	_ =	strace $0x9000004C  }
0xb1: {  	s29 =	simm.s32 $0x9;
	_ =	strace $0x8000004E  }
0xb2: {  	_ =	swait.ge [sflag:s29], $0x1  }
0xb3: {  	[sflag:s29] =	ssyncadd.s32 $0xFFFFFFFF  }
0xb4: {  	_ =	strace $0x9000004E  }
0xb5: {  	_ =	sfence  }
0xb6: {  	s30 =	sld [smem:$0x0];
	_ =	sdelay $0x2  }
0xb7: {  	s31 =	sshll.u32 s1, $0xD;
	s1 =	sshrl.u32 s1, $0x2  }
0xb8: {  	s3 =	sand.u32 $0x4000, s31;
	s1 =	sadd.s32 s1, s30  }
0xb9: {  	s0 =	sor.u32 s3, s0;
	s1 =	sshll.u32 s1, $0x11  }
0xba: {  	s0 =	sor.u32 s1, s0  }
0xbb: {  	s0 =	sadd.s32 $0x8F2B, s0  }
0xbc: {  	[sflag:s0] =	ssyncadd.remote.s32 $0x1  }
0xbd: {  	_ =	sfence.sel $0xFFFF  }
0xbe: {  	[dreg:$0x0] =	wrdreg $0xFFFFFFFF;
	(pc) =	sbr.abs _section_cstart, $3  }
0xbf: {  	[dreg:$0x1] =	wrdreg $0xFFFFFFFF  }
0xc0: {  	_ =	task.clear_ibuf [dreg:s6], $0x2FFFF;
	_ =	strace $0x9FFFFFFF  }
0xc1: {  	(tm) =	ssettm $0x7FFFFFFF  }
tec
execute0_lowered:
.L_overlay_start_1:
0x0: {  	(tag) =	ssettag $0x1  }
0x1: {  	s1 =	srdreg.scid  }
0x2: {  	s0 =	stileid.u32;
	s4 =	rddreg [dreg:$0x0]  }
0x3: {  	s2 =	simm.s32 $0x0;
	s3 =	sand.u32 $0x1, s1;
	s30 =	sshll.u32 s0, $0x1  }
0x4: {  	s9 =	simm.s32 $0x1;
	s10 =	simm.s32 $0x8200;
	s5 =	sor.u32 s3, s30  }
0x5: {  	s11 =	simm.s32 $0x10400;
	s12 =	simm.s32 $0x12480;
	s6 =	smul.u32 $0x2080, s5  }
0x6: {  	s1 =	rddreg [dreg:$0x1];
	s3 =	ssub.s32 $0x2, s3;
	s5 =	smul.u32 $0x8200, s5  }
0x7: {  	s13 =	simm.s32 $0x0;
	[smem:$0x7FF] =	sst s2;
	s31 =	sshrl.u32 s3, $0x1  }
0x8: {  	_ =	strace $0x8000004D;
	s8 =	ssub.s32 s3, s31;
	s5 =	sshrl.u32 s5, $0x3  }
0x9: {  	s6 =	sshrl.u32 s6, $0x3;
	s8 =	smax.u32 s8, $0x1;
	s7 =	sadd.s32 s5, s4  }
0xa: {  	s6 =	sadd.s32 s6, s4;
	s3 =	sadd.s32 $0x14400, s7;
	s4 =	sadd.s32 $0x34C00, s7  }
0xb: {  	s5 =	sadd.s32 $0x55400, s6;
	s6 =	sadd.s32 $0x5D600, s6;
	s7 =	sadd.s32 $0x65800, s7  }
.LBB2_1:
0xc: {  	[tilespmem:s2], [sflag:$0x1] =	stream.linear.gather [hbm4b:s3+s2], $0x8200, $0x38;
	[tilespmem:$0x14500] =	vst v63  }
0xd: {  	_ =	swait.ge [sflag:s9], $0x8200  }
0xe: {  	[sflag:s9] =	ssyncset.done $0x0  }
0xf: {  	[sflag:s9] =	ssyncadd.s32 $0xFFFF7E00  }
0x10: {  	[tilespmem:s10], [sflag:$0x1] =	stream.linear.gather [hbm4b:s4+s2], $0x8200, $0x38;
	[tilespmem:$0x14500] =	vst v63  }
0x11: {  	_ =	swait.ge [sflag:s9], $0x8200  }
0x12: {  	[sflag:s9] =	ssyncset.done $0x0  }
0x13: {  	[sflag:s9] =	ssyncadd.s32 $0xFFFF7E00  }
0x14: {  	[tilespmem:s11], [sflag:$0x1] =	stream.linear.gather [hbm4b:s5+s2], $0x2080, $0x38;
	[tilespmem:$0x14500] =	vst v63  }
0x15: {  	_ =	swait.ge [sflag:s9], $0x2080  }
0x16: {  	[sflag:s9] =	ssyncset.done $0x0  }
0x17: {  	[sflag:s9] =	ssyncadd.s32 $0xFFFFDF80  }
0x18: {  	[tilespmem:s12], [sflag:$0x1] =	stream.linear.gather [hbm4b:s6+s2], $0x2080, $0x38;
	[tilespmem:$0x14500] =	vst v63  }
0x19: {  	_ =	swait.ge [sflag:s9], $0x2080  }
0x1a: {  	[sflag:s9] =	ssyncset.done $0x0  }
0x1b: {  	s14 =	simm.s32 $0x0;
	[sflag:s9] =	ssyncadd.s32 $0xFFFFDF80  }
0x1c: {  	v0 =	vld [tilespmem:s14+$0x10400]  }
0x1d: {  	v1 =	vld [tilespmem:s14+$0x12480];
	_ =	sdelay $0x4  }
0x1e: {  	v0 =	vadd.f32 v1, v0;
	_ =	sdelay $0x1  }
0x1f: {  	(erf) = vrcp.f32 v0  }
0x20: {  	s14 =	simm.s32 $0x20  }
0x21: {  	s15 =	simm.s32 $0x8220;
	v1 =	vld [tilespmem:s14+$0xFFFFFFE0]  }
0x22: {  	v0 =	vld [tilespmem:s15+$0xFFFFFFE0];
	_ =	sdelay $0x4  }
0x23: {  	v0 =	vadd.f32 v0, v1  }
0x24: {  	v1 =	vpop (erf)  }
0x25: {  	v0 =	vmul.f32 v0, v1;
	_ =	sdelay $0x1  }
0x26: {  	[tilespmem:s14+$0xFFFFFFE0] =	vst v0;
	v0 =	vld [tilespmem:s14+$0xFFFFFFF0]  }
0x27: {  	v2 =	vld [tilespmem:s15+$0xFFFFFFF0];
	_ =	sdelay $0x4  }
0x28: {  	v0 =	vadd.f32 v2, v0;
	_ =	sdelay $0x1  }
0x29: {  	v0 =	vmul.f32 v0, v1;
	_ =	sdelay $0x1  }
0x2a: {  	[tilespmem:s14+$0xFFFFFFF0] =	vst v0;
	v0 =	vld [tilespmem:s14+$0x0]  }
0x2b: {  	v2 =	vld [tilespmem:s15+$0x0];
	_ =	sdelay $0x4  }
0x2c: {  	v0 =	vadd.f32 v2, v0;
	_ =	sdelay $0x1  }
0x2d: {  	v0 =	vmul.f32 v0, v1;
	_ =	sdelay $0x1  }
0x2e: {  	[tilespmem:s14+$0x0] =	vst v0;
	v0 =	vld [tilespmem:s14+$0x10]  }
0x2f: {  	v2 =	vld [tilespmem:s15+$0x10];
	_ =	sdelay $0x4  }
0x30: {  	v0 =	vadd.f32 v2, v0;
	_ =	sdelay $0x1  }
0x31: {  	v0 =	vmul.f32 v0, v1;
	_ =	sdelay $0x1  }
0x32: {  	s17 =	simm.s32 $0x10;
	[tilespmem:s14+$0x10] =	vst v0  }
0x33: {  	s16 =	simm.s32 $0x80;
	v0 =	vld [tilespmem:s17+$0x10400]  }
.LBB2_2:
0x34: {  	p0 =	sne.s32 s16, $0x81C0;
	v1 =	vld [tilespmem:s17+$0x12480];
	s15 =	sadd.s32 $0x40, s15  }
0x35: {  	v2 =	vld [tilespmem:s15+$0xFFFFFFE0];
	_ =	sdelay $0x3  }
0x36: {  	v0 =	vadd.f32 v1, v0;
	_ =	sdelay $0x1  }
0x37: {  	(erf) = vrcp.f32 v0;
	_ =	sdelay $0x1  }
0x38: {  	s14 =	sadd.s32 $0x40, s14  }
0x39: {  	v0 =	vld [tilespmem:s14+$0xFFFFFFE0];
	_ =	sdelay $0x4  }
0x3a: {  	v0 =	vadd.f32 v2, v0  }
0x3b: {  	v1 =	vpop (erf)  }
0x3c: {  	v0 =	vmul.f32 v0, v1;
	_ =	sdelay $0x1  }
0x3d: {  	[tilespmem:s14+$0xFFFFFFE0] =	vst v0;
	v0 =	vld [tilespmem:s14+$0xFFFFFFF0]  }
0x3e: {  	v2 =	vld [tilespmem:s15+$0xFFFFFFF0];
	_ =	sdelay $0x4  }
0x3f: {  	v0 =	vadd.f32 v2, v0;
	_ =	sdelay $0x1  }
0x40: {  	v0 =	vmul.f32 v0, v1;
	_ =	sdelay $0x1  }
0x41: {  	[tilespmem:s14+$0xFFFFFFF0] =	vst v0;
	v0 =	vld [tilespmem:s14+$0x0]  }
0x42: {  	v2 =	vld [tilespmem:s15+$0x0];
	_ =	sdelay $0x4  }
0x43: {  	v0 =	vadd.f32 v2, v0;
	_ =	sdelay $0x1  }
0x44: {  	v0 =	vmul.f32 v0, v1;
	_ =	sdelay $0x1  }
0x45: {  	[tilespmem:s14+$0x0] =	vst v0;
	v0 =	vld [tilespmem:s14+$0x10]  }
0x46: {  	v2 =	vld [tilespmem:s15+$0x10];
	_ =	sdelay $0x4  }
0x47: {  	v0 =	vadd.f32 v2, v0  }
.Ltmp0:
0x48: {  	(pc) =	sbr.rel @p0 .LBB2_2-.Ltmp0, $3  }
0x49: {  	v0 =	vmul.f32 v0, v1;
	_ =	sdelay $0x1  }
0x4a: {  	s17 =	sshra.s32 s16, $0x2;
	[tilespmem:s14+$0x10] =	vst v0  }
0x4b: {  	s16 =	sadd.s32 $0x40, s16;
	v0 =	vld [tilespmem:s17+$0x10400]  }
0x4c: {  	v1 =	vld [tilespmem:s17+$0x12480];
	_ =	sdelay $0x4  }
0x4d: {  	v0 =	vadd.f32 v1, v0;
	_ =	sdelay $0x1  }
0x4e: {  	(erf) = vrcp.f32 v0  }
0x4f: {  	s15 =	sadd.s32 $0x40, s15  }
0x50: {  	s14 =	sadd.s32 $0x40, s14;
	v56 =	vld [tilespmem:s15+$0xFFFFFFE0]  }
0x51: {  	v57 =	vld [tilespmem:s14+$0xFFFFFFE0];
	_ =	sdelay $0x4  }
0x52: {  	v0 =	vadd.f32 v56, v57  }
0x53: {  	v58 =	vpop (erf)  }
0x54: {  	v0 =	vmul.f32 v0, v58;
	_ =	sdelay $0x1  }
0x55: {  	v59 =	vld [tilespmem:s14+$0xFFFFFFF0];
	[tilespmem:s14+$0xFFFFFFE0] =	vst v0  }
0x56: {  	v2 =	vld [tilespmem:s15+$0xFFFFFFF0];
	_ =	sdelay $0x4  }
0x57: {  	v0 =	vadd.f32 v2, v59;
	_ =	sdelay $0x1  }
0x58: {  	v0 =	vmul.f32 v0, v58;
	_ =	sdelay $0x1  }
0x59: {  	v60 =	vld [tilespmem:s14+$0x0];
	[tilespmem:s14+$0xFFFFFFF0] =	vst v0  }
0x5a: {  	v61 =	vld [tilespmem:s15+$0x0];
	_ =	sdelay $0x4  }
0x5b: {  	v0 =	vadd.f32 v61, v60;
	_ =	sdelay $0x1  }
0x5c: {  	v0 =	vmul.f32 v0, v58;
	_ =	sdelay $0x1  }
0x5d: {  	v62 =	vld [tilespmem:s14+$0x10];
	[tilespmem:s14+$0x0] =	vst v0  }
0x5e: {  	v63 =	vld [tilespmem:s15+$0x10];
	_ =	sdelay $0x4  }
0x5f: {  	v0 =	vadd.f32 v63, v62;
	_ =	sdelay $0x1  }
0x60: {  	s13 =	sadd.s32 $0x1, s13;
	v0 =	vmul.f32 v0, v58  }
0x61: {  	p0 =	sne.s32 s13, s8  }
.Ltmp1:
0x62: {  	[tilespmem:s14+$0x10] =	vst v0;
	(pc) =	sbr.rel @p0 .LBB2_1-.Ltmp1, $4  }
0x63: {  	[hbm4b:s7+s2] =	stream.linear.scatter [tilespmem:s2], [sflag:$0x1], $0x8200, $0x38;
	[tilespmem:$0x14500] =	vst v63  }
0x64: {  	_ =	swait.ge [sflag:s9], $0x8200  }
0x65: {  	[sflag:s9] =	ssyncset.done $0x0  }
0x66: {  	[sflag:s9] =	ssyncadd.s32 $0xFFFF7E00  }
0x67: {  	_ =	sfence.sel $0x180000  }
0x68: {  	[bflag:$0x0] =	sbarrier.arrive $0xFFFF  }
0x69: {  	p0 =	sne.s32 s0, $0x0;
	_ =	strace $0x9000004D  }
0x6a: {  	s0 =	sadd.s32 @!p0 $0x100000, s1;
	[bflag:$0x2] =	sbarrier.arrive $0xFFFF  }
0x6b: {  	[sflag:s0] =	ssyncadd.tile.s32 @!p0 $0x1;
	_ =	shalt  }
.Lfunc_end2:
_tile_overlayer_lowered:
.L_overlay_start_2:
0x6c: {  	(tag) =	ssettag $0x2  }
0x6d: {  	s0 =	rddreg [dreg:$0x0];
	s2 =	stileid.u32  }
0x6e: {  	s1 =	rddreg [dreg:$0x1];
	p0 =	sne.s32 s2, $0x0  }
0x6f: {  	s3 =	rddreg [dreg:$0x2];
	[bflag:$0x3] =	sbarrier.arrive $0xFFFF;
	s2 =	simm.s32 @!p0 $0x1C01  }
0x70: {  	[timem:s3], [sflag:s2] =	dma.local @!p0 [hbm:s0], s1  }
0x71: {  	s0 =	simm.s32 @!p0 $0x1  }
0x72: {  	_ =	swait.ge @!p0 [sflag:s0], s1  }
0x73: {  	s1 =	ssub.s32 @!p0 $0x0, s1;
	[sflag:s0] =	ssyncset.done @!p0 $0x0  }
0x74: {  	[sflag:s0] =	ssyncadd.s32 @!p0 s1  }
0x75: {  	[bflag:$0x3] =	sbarrier.arrive $0xFFFF  }
0x76: {  	_ =	shalt  }

// kernel: sparse-core-data-format-call.cloned.1.call-start
scs
called_computation_lowered:
.L_overlay_start_0:
0x0: {  	s2 =	sld [smem:$0x3FD9]  }
0x1: {  	s3 =	sld [smem:$0x3FFE];
	_ =	sdelay $0x1  }
0x2: {  	s1 =	srdreg.scid  }
0x3: {  	s0 =	sand.u32 $0x1, s1  }
0x4: {  	s18 =	sshll.u32 s0, $0xA;
	s2 =	sadd.s32 s3, s2  }
0x5: {  	s2 =	sadd.s32 s2, s18  }
0x6: {  	[smem:$0x3FC6] =	sst s2  }
0x7: {  	_ = 	snop  }
0x8: {  	s2 =	sld [smem:$0x3FD0];
	(tm) =	ssettm $0x1  }
0x9: {  	s19 =	sld [smem:$0x3FFB];
	_ =	sdelay $0x3  }
0xa: {  	_ =	strace s19  }
0xb: {  	s3 =	sld [smem:$0x3FFC];
	_ =	sdelay $0x3  }
0xc: {  	_ =	strace s3  }
0xd: {  	s3 =	sld [smem:$0x3FFD];
	_ =	sdelay $0x3  }
0xe: {  	_ =	strace s3  }
0xf: {  	_ =	strace $0x8FFFFFFF  }
0x10: {  	s20 =	sld [smem:$0x3FDB];
	_ =	sdelay $0x1  }
0x11: {  	s4 =	simm.s32 $_scs_section_size  }
0x12: {  	s5 =	simm.s32 $_size__tile_overlayer_lowered;
	s6 =	simm.s32 $_tile_overlayer_lowered  }
0x13: {  	s23 =	simm.s32 $0x1BFF;
	s22 =	sshll.u32 s6, $0x1;
	s3 =	sadd.s32 s4, s20  }
0x14: {  	s7 =	simm.s32 $0x0;
	s21 =	sshll.u32 s5, $0x1;
	s5 =	sadd.s32 s22, s3  }
0x15: {  	[timem:s7], [sflag:s23] =	dma.local [hbm:s5], s21  }
0x16: {  	_ =	swait.ge [sflag:s23], s21  }
0x17: {  	s4 =	ssub.s32 $0x0, s21;
	[sflag:s23] =	ssyncset.done $0x0  }
0x18: {  	[sflag:s23] =	ssyncadd.s32 s4;
	_ =	sdelay $0x1  }
0x19: {  	s24 =	simm.s32 $0x1B8B  }
0x1a: {  	_ =	swait.ge [sflag:s24], $0x1  }
0x1b: {  	[sflag:s24] =	ssyncset.done $0x0  }
0x1c: {  	s26 =	simm.s32 $0x1B8E;
	s25 =	sld [smem:$0x3FFE];
	[sflag:s24] =	ssyncadd.s32 $0xFFFFFFFF  }
0x1d: {  	s27 =	simm.s32 $execute0_lowered;
	[smem:$0x3FD2] =	sst s26  }
0x1e: {  	s5 =	sshll.u32 s27, $0x1;
	_ =	strace $0x80000052;
	[dreg:$0x1] =	wrdreg $0xFFFFFFFF  }
0x1f: {  	s28 =	simm.s32 $_size_execute0_lowered;
	s3 =	sadd.s32 s3, s5;
	[dreg:$0x0] =	wrdreg $0x0  }
0x20: {  	s5 =	sshll.u32 s28, $0x1;
	[dreg:$0x2] =	wrdreg s3  }
0x21: {  	[dreg:$0x3] =	wrdreg s5  }
0x22: {  	[dreg:$0x4] =	wrdreg $0xC0  }
0x23: {  	_ =	task [dreg:s7], $0x5FFFF  }
0x24: {  	[dreg:$0x1] =	wrdreg $0xFFFFFFFF  }
0x25: {  	[dreg:$0x0] =	wrdreg $0x60  }
0x26: {  	[dreg:$0x2] =	wrdreg s25  }
0x27: {  	[dreg:$0x3] =	wrdreg s2  }
0x28: {  	[dreg:$0x4] =	wrdreg $0x9  }
0x29: {  	_ =	task.clear_ibuf [dreg:s7], $0x5FFFF;
	_ =	strace $0x90000052  }
0x2a: {  	s29 =	simm.s32 $0x9;
	_ =	strace $0x80000054  }
0x2b: {  	_ =	swait.ge [sflag:s29], $0x1  }
0x2c: {  	[sflag:s29] =	ssyncadd.s32 $0xFFFFFFFF  }
0x2d: {  	_ =	strace $0x90000054  }
0x2e: {  	_ =	sfence  }
0x2f: {  	s30 =	sld [smem:$0x0];
	_ =	sdelay $0x2  }
0x30: {  	s31 =	sshll.u32 s1, $0xD;
	s1 =	sshrl.u32 s1, $0x2  }
0x31: {  	s3 =	sand.u32 $0x4000, s31;
	s1 =	sadd.s32 s1, s30  }
0x32: {  	s0 =	sor.u32 s3, s0;
	s1 =	sshll.u32 s1, $0x11  }
0x33: {  	s0 =	sor.u32 s1, s0  }
0x34: {  	s0 =	sadd.s32 $0x8F2B, s0  }
0x35: {  	[sflag:s0] =	ssyncadd.remote.s32 $0x1  }
0x36: {  	_ =	sfence.sel $0xFFFF  }
0x37: {  	[dreg:$0x0] =	wrdreg $0xFFFFFFFF;
	(pc) =	sbr.abs _section_cstart, $3  }
0x38: {  	[dreg:$0x1] =	wrdreg $0xFFFFFFFF  }
0x39: {  	_ =	task.clear_ibuf [dreg:s7], $0x2FFFF;
	_ =	strace $0x9FFFFFFF  }
0x3a: {  	(tm) =	ssettm $0x7FFFFFFF  }
0x3b: {  	_ =	shalt  }
tec
execute0_lowered:
.L_overlay_start_1:
0x0: {  	(tag) =	ssettag $0x1  }
0x1: {  	s4 =	rddreg [dreg:$0x0]  }
0x2: {  	s0 =	srdreg.scid;
	s2 =	rddreg [dreg:$0x1]  }
0x3: {  	s1 =	stileid.u32;
	s5 =	simm.s32 $0x1;
	s0 =	sshll.u32 s0, $0x4  }
0x4: {  	s7 =	simm.s32 $0x2;
	s11 =	simm.s32 $0x0;
	s3 =	sand.u32 $0x10, s0  }
.Ltmp0:
0x5: {  	p0 =	por $0x0, $0x0;
	s3 =	sor.u32 s1, s3;
	(pc) =	sbr.rel .LBB1_1-.Ltmp0, $4  }
0x6: {  	s8 =	simm.s32 $0x20C800;
	s10 =	simm.s32 $0x0;
	s3 =	sshll.u32 s3, $0x7  }
0x7: {  	s0 =	rddreg [dreg:$0x2];
	_ =	strace $0x80000053;
	s6 =	ssub.s32 $0x41880, s3  }
0x8: {  	s4 =	sadd.s32 $0x2400, s4;
	[sflag:s5] =	ssyncpa.u1 $0x0;
	s6 =	sshrl.u32 s6, $0xC  }
0x9: {  	[sflag:s7] =	ssyncpa.u1 $0x0;
	s9 =	smov.u32 s3;
	s7 =	sor.u32 $0x2, s6  }
.LBB1_5:
0xa: {  	s13 =	sadd.s32 $0x1000, s9  }
0xb: {  	p2 =	sgt.s32 s13, $0x41892  }
0xc: {  	s13 =	smov.u32 @p2 s3;
	p2 =	sne.s32 s10, s7  }
.Ltmp1:
0xd: {  	p1 =	slt.u32 s10, $0x2;
	(pc) =	sbr.rel @!p2 .LBB1_6-.Ltmp1, $4  }
0xe: {  	s12 =	simm.s32 @!p1 $0x2  }
0xf: {  	s14 =	sadd.s32 $0x1, s10;
	_ =	swait.ge @!p1 [sflag:s12], $0x2000  }
0x10: {  	s11 =	smov.u32 s9;
	p0 =	por !p0, !p0;
	[sflag:s12] =	ssyncset.done @!p1 $0x0  }
0x11: {  	s10 =	smov.u32 s14;
	s9 =	smov.u32 s13;
	[sflag:s12] =	ssyncadd.s32 @!p1 $0xFFFFE000  }
.LBB1_1:
0x12: {  	p1 =	sgt.u32 s10, s6  }
0x13: {  	s13 =	smov.u32 s9;
	p2 =	sgt.s32 @!p1 s9, $0x41818  }
0x14: {  	s12 =	sand.u32 @!p1 $0x1FFFFFF, s9;
	s14 =	sshra.s32 @!p1 s9, $0x1F;
	p2 =	por !p2, p1  }
0x15: {  	s15 =	smulhi.u32 @!p1 $0xF9FEEB, s12;
	s14 =	sand.u32 @!p1 s14, s9;
	s13 =	simm.s32 @p2 $0x41818  }
0x16: {  	s13 =	ssub.s32 @!p1 s13, s14  }
0x17: {  	s14 =	sshrl.u32 @!p1 s15, $0xA;
	s13 =	sadd.s32 @!p1 $0xFFFBE7E8, s13  }
0x18: {  	s15 =	sxor.u32 @!p1 $0xFFFFFFFF, s10;
	s14 =	smul.u32 @!p1 $0x41898, s14;
	s16 =	sshll.u32 @!p1 s13, $0x8  }
0x19: {  	s15 =	sshll.u32 @!p1 s15, $0xD;
	p2 =	sgt.s32 @!p1 s13, $0x7F;
	s13 =	ssub.s32 @!p1 $0x8000, s16  }
0x1a: {  	s12 =	ssub.s32 @!p1 s12, s14;
	p2 =	por !p2, p1;
	s14 =	sand.u32 @!p1 $0x2000, s15  }
0x1b: {  	s15 =	simm.s32 @!p1 $0x40;
	s13 =	sshrl.u32 @!p1 s13, $0x2;
	s12 =	sshll.u32 @!p1 s12, $0x4  }
0x1c: {  	s16 =	simm.s32 @!p1 $0x80;
	s13 =	simm.s32 @!p2 $0x0;
	s12 =	sadd.s32 @!p1 s4, s12  }
0x1d: {  	[tilespmem:s14], [sflag:$0x1] =	stream.strided.gather @!p1 [hbm4b:s12+s15], s13, s16, s15, $0x38;
	[tilespmem:$0x8080] =	vst v63  }
0x1e: {  	p1 =	seq.s32 s10, $0x0  }
0x1f: {  	p2 =	sge.u32 @!p1 s10, s7  }
0x20: {  	p1 =	por p1, p2  }
.Ltmp2:
0x21: {  	_ = 	snop;
	(pc) =	sbr.rel @p1 .LBB1_5-.Ltmp2, $1  }
0x22: {  	_ =	sdelay $0x3  }
0x23: {  	p1 =	sgt.s32 s11, $0x41818;
	s12 =	smov.u32 s11;
	s13 =	sshra.s32 s11, $0x1F  }
0x24: {  	s12 =	simm.s32 @!p1 $0x41818;
	s13 =	sand.u32 s13, s11  }
0x25: {  	s12 =	ssub.s32 s12, s13  }
0x26: {  	s12 =	sadd.s32 $0xFFFBE7E8, s12  }
0x27: {  	s28 =	sshll.u32 s12, $0x8  }
0x28: {  	s13 =	ssub.s32 $0x8000, s28  }
0x29: {  	p1 =	sgt.s32 s12, $0x7F;
	s12 =	sshrl.u32 s13, $0x2  }
0x2a: {  	s13 =	simm.s32 $0x1;
	s12 =	simm.s32 @p1 $0x0  }
0x2b: {  	s13 =	simm.s32 @!p0 $0x0;
	_ =	swait.ge [sflag:s5], s12  }
0x2c: {  	s14 =	sshll.u32 s13, $0xD;
	s12 =	ssub.s32 $0x0, s12;
	[sflag:s5] =	ssyncset.done $0x0  }
0x2d: {  	s16 =	sor.u32 $0x20, s14;
	[sflag:s5] =	ssyncadd.s32 s12  }
0x2e: {  	s29 =	smul.u32 $0x8100, s13;
	v3 =	vld [tilespmem:s16+$0x10]  }
0x2f: {  	s30 =	sand.u32 $0x1, s10;
	v2 =	vld [tilespmem:s16+$0xFFFFFFF0]  }
0x30: {  	s13 =	smul.u32 $0x8100, s30;
	s12 =	sshrl.u32 s29, $0x2;
	v0 =	vld [tilespmem:s16+$0x0]  }
0x31: {  	s14 =	sor.u32 $0x4000, s12;
	v1 =	vld [tilespmem:s16+$0xFFFFFFE0]  }
0x32: {  	s31 =	sshrl.u32 s13, $0x2;
	s13 =	sadd.s32 $0x0, s14  }
0x33: {  	s15 =	simm.s32 $0x4;
	s12 =	sor.u32 $0x4000, s31;
	s16 =	sadd.s32 $0x40, s16;
	[tilespmem:s13+$0x1830 ss:$0x81] =	vst.msk $0xffff, v3  }
.LBB1_3:
0x34: {  	v3 =	vld [tilespmem:s16+$0x10];
	p1 =	sne.s32 s15, $0x1FC;
	[tilespmem:s13+$0x810 ss:$0x81] =	vst.msk $0xffff, v2;
	s17 =	smov.u32 s15;
	s15 =	sadd.s32 $0x4, s15  }
.Ltmp3:
0x35: {  	v2 =	vld [tilespmem:s16+$0xFFFFFFF0];
	[tilespmem:s13+$0x1020 ss:$0x81] =	vst.msk $0xffff, v0;
	(pc) =	sbr.rel @p1 .LBB1_3-.Ltmp3, $4  }
0x36: {  	v0 =	vld [tilespmem:s16+$0x0];
	[tilespmem:s13+$0x0 ss:$0x81] =	vst.msk $0xffff, v1  }
0x37: {  	s13 =	sshra.s32 s17, $0x2;
	v1 =	vld [tilespmem:s16+$0xFFFFFFE0]  }
0x38: {  	s13 =	sadd.s32 s13, s14  }
0x39: {  	s16 =	sadd.s32 $0x40, s16;
	[tilespmem:s13+$0x1830 ss:$0x81] =	vst.msk $0xffff, v3  }
0x3a: {  	s14 =	sshll.u32 s11, $0x3  }
0x3b: {  	s30 =	sand.u32 $0x7F, s11;
	s14 =	sand.u32 $0xFFFFFC00, s14  }
0x3c: {  	s11 =	sor.u32 s30, s14  }
0x3d: {  	s15 =	smulhi.u32 $0x7CF310D7, s11;
	_ =	sdelay $0x1  }
0x3e: {  	s14 =	smulhi.u32 $0x7CF310D7, s14;
	s15 =	sshrl.u32 s15, $0x11  }
0x3f: {  	s15 =	smul.u32 $0x41900, s15  }
0x40: {  	s14 =	sshrl.u32 s14, $0x11  }
.Ltmp4:
0x41: {  	s14 =	sand.u32 $0x3F, s14;
	s11 =	ssub.s32 s11, s15;
	(pc) =	sbr.rel .LBB1_5-.Ltmp4, $4  }
0x42: {  	[tilespmem:s13+$0x810 ss:$0x81] =	vst.msk $0xffff, v2;
	s14 =	smul.u32 $0x8320, s14;
	s15 =	sshrl.u32 s11, $0x3;
	s11 =	sand.u32 $0x7, s11  }
0x43: {  	[tilespmem:s13+$0x1020 ss:$0x81] =	vst.msk $0xffff, v0;
	s15 =	sadd.s32 s2, s15;
	s11 =	sshll.u32 s11, $0x12  }
0x44: {  	[tilespmem:s13+$0x0 ss:$0x81] =	vst.msk $0xffff, v1;
	s31 =	sadd.s32 s14, s15;
	s11 =	sor.u32 $0x400, s11  }
0x45: {  	[hbm4b:s31+s11] =	stream.strided.scatter [tilespmem:s12], [sflag:$0x2], $0x2000, s8, s11, $0x20;
	[tilespmem:$0x8080] =	vst v63  }
.LBB1_6:
0x46: {  	_ =	sfence.sel $0x180000  }
0x47: {  	s2 =	simm.s32 $0x1;
	[bflag:$0x0] =	sbarrier.arrive $0xFFFF  }
0x48: {  	s31 =	simm.s32 $0x2;
	[sflag:s2] =	ssyncpa.u1 $0x1  }
0x49: {  	[sflag:s31] =	ssyncpa.u1 $0x1  }
0x4a: {  	p0 =	sne.s32 s1, $0x0;
	_ =	strace $0x90000053  }
0x4b: {  	s0 =	sadd.s32 @!p0 $0x100000, s0;
	[bflag:$0x2] =	sbarrier.arrive $0xFFFF  }
0x4c: {  	[sflag:s0] =	ssyncadd.tile.s32 @!p0 $0x1;
	_ =	shalt  }
.Lfunc_end1:
_tile_overlayer_lowered:
.L_overlay_start_2:
0x4d: {  	(tag) =	ssettag $0x2  }
0x4e: {  	s0 =	rddreg [dreg:$0x0];
	s2 =	stileid.u32  }
0x4f: {  	s1 =	rddreg [dreg:$0x1];
	p0 =	sne.s32 s2, $0x0  }
0x50: {  	s3 =	rddreg [dreg:$0x2];
	[bflag:$0x3] =	sbarrier.arrive $0xFFFF;
	s2 =	simm.s32 @!p0 $0x1C01  }
0x51: {  	[timem:s3], [sflag:s2] =	dma.local @!p0 [hbm:s0], s1  }
0x52: {  	s0 =	simm.s32 @!p0 $0x1  }
0x53: {  	_ =	swait.ge @!p0 [sflag:s0], s1  }
0x54: {  	s1 =	ssub.s32 @!p0 $0x0, s1;
	[sflag:s0] =	ssyncset.done @!p0 $0x0  }
0x55: {  	[sflag:s0] =	ssyncadd.s32 @!p0 s1  }
0x56: {  	[bflag:$0x3] =	sbarrier.arrive $0xFFFF  }
0x57: {  	_ =	shalt  }

</sc_bundles>
